<compile_context>
chip_gen: v7x
topology: tpu7x:2x2x1
jax: 0.10.2.dev20260603
libtpu: 0.0.44.dev20260713+nightly
codegen_flags: <defaults>
</compile_context>

<pallas_src>
import functools

import jax
import jax.numpy as jnp
from jax import lax
from jax.experimental import pallas as pl
from jax.experimental.pallas import tpu as pltpu
from jax.experimental.pallas import tpu_sc as plsc

_B, _N, _K = 4, 4096, 16
_C = 128
_ATTN, _SHARED = 16, 8
_PD = 16
_RK = 256
_TQ = 512
_TP = 512
_CNT = _B * _N * _K
_EPS = 1e-5

_NC, _NS = 2, 16
_NW = _NC * _NS
_PER_W = _CNT // _NW
_CH = 256
_NCH = _PER_W // _CH


def _f32(x):
    return x.astype(jnp.float32)


def _pack_kv(k, v):
    ku = lax.bitcast_convert_type(
        k.astype(jnp.bfloat16).astype(jnp.float32), jnp.uint32)
    vu = lax.bitcast_convert_type(
        v.astype(jnp.bfloat16).astype(jnp.float32), jnp.uint32)
    return lax.bitcast_convert_type(ku | (vu >> 16), jnp.float32)


def _unpack_k(w):
    wu = lax.bitcast_convert_type(w, jnp.uint32)
    return lax.bitcast_convert_type(wu & jnp.uint32(0xFFFF0000), jnp.float32)


def _unpack_v(w):
    wu = lax.bitcast_convert_type(w, jnp.uint32)
    return lax.bitcast_convert_type(wu << 16, jnp.float32)


def _qkv_kernel(x_ref, wq_ref, bq_ref, wk_ref, bk_ref, wv_ref,
                bv_ref, q_ref, kv_ref):
    xb = x_ref[0]

    def proj(w_ref, b_ref):
        return lax.dot_general(xb, w_ref[...], (((0,), (1,)), ((), ())),
                               preferred_element_type=jnp.float32) + b_ref[...]

    q_ref[0] = proj(wq_ref, bq_ref)
    kv_ref[0] = _pack_kv(proj(wk_ref, bk_ref), proj(wv_ref, bv_ref))


def _run_qkv(x, wq, bq, wk, bk, wv, bv):
    nt = _N // _TQ
    wspec = pl.BlockSpec((_C, _C), lambda b, i: (0, 0))
    bspec = pl.BlockSpec((1, _C), lambda b, i: (0, 0))
    q, kv = pl.pallas_call(
        _qkv_kernel,
        grid=(_B, nt),
        in_specs=[
            pl.BlockSpec((1, _C, _TQ), lambda b, i: (b, 0, i)),
            wspec, bspec, wspec, bspec, wspec, bspec,
        ],
        out_specs=[
            pl.BlockSpec((1, _TQ, _C), lambda b, i: (b, i, 0)),
            pl.BlockSpec((1, _TQ, _C), lambda b, i: (b, i, 0)),
        ],
        out_shape=[
            jax.ShapeDtypeStruct((_B, _N, _C), jnp.float32),
            jax.ShapeDtypeStruct((_B, _N, _C), jnp.float32),
        ],
    )(x, wq, bq.reshape(1, _C), wk, bk.reshape(1, _C), wv,
      bv.reshape(1, _C))
    return q.reshape(_B * _N, _C), kv.reshape(_B * _N, _C)


def _knn_kernel(pt_ref, pf_ref, pft_ref, idx_ref):
    b = pl.program_id(0)
    pt = pt_ref[0]
    pf = pf_ref[0]
    pft = pft_ref[0]
    sqt = (pt[:, 0:1] * pt[:, 0:1] + pt[:, 1:2] * pt[:, 1:2]) \
        + pt[:, 2:3] * pt[:, 2:3]
    sqf = (pft[0:1, :] * pft[0:1, :] + pft[1:2, :] * pft[1:2, :]) \
        + pft[2:3, :] * pft[2:3, :]
    dot = lax.dot_general(pt.astype(jnp.bfloat16), pf.astype(jnp.bfloat16),
                          (((1,), (1,)), ((), ())),
                          preferred_element_type=jnp.float32)
    d = (sqt + sqf) - 2.0 * dot

    iota = lax.broadcasted_iota(jnp.int32, d.shape, 1)
    big_i = jnp.int32(2 ** 30)
    inf = jnp.float32(3e38)
    cols = []
    for _ in range(_K):
        m = jnp.min(d, axis=1, keepdims=True)
        cand = jnp.where(d == m, iota, big_i)
        ij = jnp.min(cand, axis=1, keepdims=True)
        cols.append(ij)
        d = jnp.where(cand == ij, inf, d)
    idx_ref[0] = jnp.concatenate(cols, axis=1) + b * _N


def _run_knn(ppad3, pt8):
    nt = _N // _RK
    idx = pl.pallas_call(
        _knn_kernel,
        grid=(_B, nt),
        in_specs=[
            pl.BlockSpec((1, _RK, _PD), lambda b, i: (b, i, 0)),
            pl.BlockSpec((1, _N, _PD), lambda b, i: (b, 0, 0)),
            pl.BlockSpec((1, 8, _N), lambda b, i: (b, 0, 0)),
        ],
        out_specs=pl.BlockSpec((1, _RK, _K), lambda b, i: (b, i, 0)),
        out_shape=jax.ShapeDtypeStruct((_B, _N, _K), jnp.int32),
        compiler_params=pltpu.CompilerParams(
            dimension_semantics=("parallel", "parallel")),
    )(ppad3, ppad3, pt8)
    return idx.reshape(_CNT)


def _gather_rows(table, idx_flat, width, dtype=jnp.float32):
    mesh = plsc.VectorSubcoreMesh(core_axis_name="c", subcore_axis_name="s")

    @functools.partial(
        pl.kernel,
        mesh=mesh,
        out_type=jax.ShapeDtypeStruct((_CNT, width), dtype),
        scratch_types=[
            pltpu.VMEM((_CH,), jnp.int32),
            pltpu.VMEM((_CH, width), dtype),
            pltpu.SemaphoreType.DMA,
        ],
    )
    def gk(tab_hbm, idx_hbm, out_hbm, idx_v, row_v, s1):
        wid = lax.axis_index("s") * _NC + lax.axis_index("c")
        base = wid * _PER_W

        @pl.loop(0, _NCH)
        def _(c):
            off = base + c * _CH
            pltpu.sync_copy(idx_hbm.at[pl.ds(off, _CH)], idx_v)
            pltpu.async_copy(tab_hbm.at[idx_v], row_v, s1).wait()
            pltpu.sync_copy(row_v, out_hbm.at[pl.ds(off, _CH)])

    return gk(table, idx_flat)


def _rep_rows(t, k):
    tt, ll = t.shape
    return jnp.broadcast_to(t.reshape(tt, 1, ll), (tt, k, ll)).reshape(tt * k, ll)


def _p0_kernel(np_ref, pp_ref, s1_ref, s2_ref, rel_ref):
    rel = np_ref[:, 0:_PD] - _rep_rows(pp_ref[...], _K)
    rel_ref[...] = rel

    @pl.when(pl.program_id(0) == 0)
    def _():
        s1_ref[...] = jnp.zeros_like(s1_ref)
        s2_ref[...] = jnp.zeros_like(s2_ref)

    s1_ref[...] += jnp.sum(rel, axis=0, keepdims=True)
    s2_ref[...] += lax.dot_general(rel, rel, (((0,), (0,)), ((), ())),
                                   preferred_element_type=jnp.float32)


def _nr_from(rel, w1p, spe, tpe, w2pt, pecb):
    h = lax.dot_general(rel, w1p, (((1,), (1,)), ((), ())),
                        preferred_element_type=jnp.float32)
    hp = jnp.maximum(h * spe + tpe, 0.0)
    return lax.dot_general(hp, w2pt, (((1,), (0,)), ((), ())),
                           preferred_element_type=jnp.float32) + pecb


def _p1_kernel(nk_ref, rel_ref, q_ref, w1p_ref, spe_ref, tpe_ref,
               w2pt_ref, pecb_ref, s1_ref, s2_ref):
    nr = _nr_from(rel_ref[...], w1p_ref[...],
                  spe_ref[...], tpe_ref[...], w2pt_ref[...], pecb_ref[...])
    a = _rep_rows(q_ref[...], _K) - _unpack_k(nk_ref[...]) + nr

    @pl.when(pl.program_id(0) == 0)
    def _():
        s1_ref[...] = jnp.zeros_like(s1_ref)
        s2_ref[...] = jnp.zeros_like(s2_ref)

    s1_ref[...] += jnp.sum(a, axis=0, keepdims=True)
    s2_ref[...] += jnp.sum(a * a, axis=0, keepdims=True)


def _p2_kernel(nk_ref, rel_ref, q_ref, w1p_ref, spe_ref, tpe_ref,
               w2pt_ref, pecb_ref, s1a_ref, t1a_ref, aw1_ref,
               s1_ref, s2_ref):
    nr = _nr_from(rel_ref[...], w1p_ref[...],
                  spe_ref[...], tpe_ref[...], w2pt_ref[...], pecb_ref[...])
    a = _rep_rows(q_ref[...], _K) - _unpack_k(nk_ref[...]) + nr
    ap = jnp.maximum(a * s1a_ref[...] + t1a_ref[...], 0.0)
    a1 = lax.dot_general(ap, aw1_ref[...], (((1,), (1,)), ((), ())),
                         preferred_element_type=jnp.float32)

    @pl.when(pl.program_id(0) == 0)
    def _():
        s1_ref[...] = jnp.zeros_like(s1_ref)
        s2_ref[...] = jnp.zeros_like(s2_ref)

    s1_ref[...] += jnp.sum(a1, axis=0, keepdims=True)
    s2_ref[...] += jnp.sum(a1 * a1, axis=0, keepdims=True)


def _p3_kernel(kv_ref, rel_ref, q_ref, w1p_ref, spe_ref, tpe_ref,
               w2pt_ref, pecb_ref, s1a_ref, t1a_ref, aw1_ref,
               s2a_ref, t2a_ref, aw2_ref, acb_ref, exp_ref, y_ref):
    nr = _nr_from(rel_ref[...], w1p_ref[...],
                  spe_ref[...], tpe_ref[...], w2pt_ref[...], pecb_ref[...])
    kvb = kv_ref[...]
    nk = _unpack_k(kvb)
    nv = _unpack_v(kvb)
    a = _rep_rows(q_ref[...], _K) - nk + nr
    ap = jnp.maximum(a * s1a_ref[...] + t1a_ref[...], 0.0)
    a1 = lax.dot_general(ap, aw1_ref[...], (((1,), (1,)), ((), ())),
                         preferred_element_type=jnp.float32)
    a1p = jnp.maximum(a1 * s2a_ref[...] + t2a_ref[...], 0.0)
    a2 = lax.dot_general(a1p, aw2_ref[...], (((1,), (1,)), ((), ())),
                         preferred_element_type=jnp.float32) + acb_ref[...]
    a3 = a2.reshape(_TP, _K, _ATTN)
    mx = jnp.max(a3, axis=1, keepdims=True)
    e = jnp.exp(a3 - mx)
    w = e / jnp.sum(e, axis=1, keepdims=True)
    wf = w.reshape(_TP * _K, _ATTN)
    w128 = lax.dot_general(wf, exp_ref[...], (((1,), (0,)), ((), ())),
                           preferred_element_type=jnp.float32)
    contrib = w128 * (nv + nr)
    y_ref[...] = jnp.sum(contrib.reshape(_TP, _K, _C), axis=1)


def kernel(p, x, Wq, bq, Wk, bk, Wv, bv, pe_W1, pe_bn_g, pe_bn_b, pe_W2,
           pe_cb, at_bn1_g, at_bn1_b, at_W1, at_bn2_g, at_bn2_b, at_W2,
           at_cb):
    f = _f32
    p = f(p)
    x = f(x)

    pflat = p.reshape(_B * _N, 3)
    ppad = jnp.concatenate(
        [pflat, jnp.zeros((_B * _N, _PD - 3), jnp.float32)], axis=1)
    ppad3 = ppad.reshape(_B, _N, _PD)
    ppad128 = jnp.concatenate(
        [pflat, jnp.zeros((_B * _N, _C - 3), jnp.float32)], axis=1)

    pt8 = jnp.concatenate(
        [p.transpose(0, 2, 1), jnp.zeros((_B, 5, _N), jnp.float32)], axis=1)

    idx_flat = _run_knn(ppad3, pt8)
    p_g = _gather_rows(ppad128, idx_flat, _C)
    q, kvp = _run_qkv(x, f(Wq), f(bq), f(Wk), f(bk), f(Wv), f(bv))
    kv_g = _gather_rows(kvp, idx_flat, _C)

    grid = (_CNT // (_TP * _K),)
    np_spec = pl.BlockSpec((_TP * _K, _C), lambda i: (i, 0))
    pp_spec = pl.BlockSpec((_TP, _PD), lambda i: (i, 0))
    relc_spec = pl.BlockSpec((_TP * _K, _PD), lambda i: (i, 0))
    q_spec = pl.BlockSpec((_TP, _C), lambda i: (i, 0))
    nk_spec = pl.BlockSpec((_TP * _K, _C), lambda i: (i, 0))
    kv_spec = pl.BlockSpec((_TP * _K, _C), lambda i: (i, 0))

    def const_spec(shape):
        nd = len(shape)
        return pl.BlockSpec(shape, lambda i, _n=nd: (0,) * _n)

    acc_spec = const_spec

    s1r, s2r, rel_c = pl.pallas_call(
        _p0_kernel,
        grid=grid,
        in_specs=[np_spec, pp_spec],
        out_specs=[acc_spec((1, _PD)), acc_spec((_PD, _PD)), relc_spec],
        out_shape=[jax.ShapeDtypeStruct((1, _PD), jnp.float32),
                   jax.ShapeDtypeStruct((_PD, _PD), jnp.float32),
                   jax.ShapeDtypeStruct((_CNT, _PD), jnp.float32)],
    )(p_g, ppad)

    cnt = jnp.float32(_CNT)
    w1p = jnp.zeros((_PD, _PD), jnp.float32).at[0:3, 0:3].set(f(pe_W1))
    mean_rel = s1r / cnt
    cov = s2r / cnt - mean_rel.T @ mean_rel
    mh = mean_rel @ w1p.T
    vh = jnp.sum((w1p @ cov) * w1p, axis=1).reshape(1, _PD)
    g16 = jnp.zeros((1, _PD), jnp.float32).at[0, 0:3].set(f(pe_bn_g))
    b16 = jnp.zeros((1, _PD), jnp.float32).at[0, 0:3].set(f(pe_bn_b))
    spe = g16 * lax.rsqrt(vh + _EPS)
    tpe = b16 - mh * spe
    w2pt = jnp.zeros((_PD, _C), jnp.float32).at[0:3, :].set(f(pe_W2).T)
    pecb = f(pe_cb).reshape(1, _C)

    wconsts = [const_spec((_PD, _PD)), const_spec((1, _PD)),
               const_spec((1, _PD)), const_spec((_PD, _C)),
               const_spec((1, _C))]
    wvals = (w1p, spe, tpe, w2pt, pecb)

    s1a_s, s2a_s = pl.pallas_call(
        _p1_kernel,
        grid=grid,
        in_specs=[nk_spec, relc_spec, q_spec] + wconsts,
        out_specs=[acc_spec((1, _C)), acc_spec((1, _C))],
        out_shape=[jax.ShapeDtypeStruct((1, _C), jnp.float32),
                   jax.ShapeDtypeStruct((1, _C), jnp.float32)],
    )(kv_g, rel_c, q, *wvals)

    mean1 = s1a_s / cnt
    var1 = s2a_s / cnt - mean1 * mean1
    s1a = f(at_bn1_g).reshape(1, _C) * lax.rsqrt(var1 + _EPS)
    t1a = f(at_bn1_b).reshape(1, _C) - mean1 * s1a
    aw1 = f(at_W1)

    s1b_s, s2b_s = pl.pallas_call(
        _p2_kernel,
        grid=grid,
        in_specs=[nk_spec, relc_spec, q_spec] + wconsts +
                 [const_spec((1, _C)), const_spec((1, _C)),
                  const_spec((_ATTN, _C))],
        out_specs=[acc_spec((1, _ATTN)), acc_spec((1, _ATTN))],
        out_shape=[jax.ShapeDtypeStruct((1, _ATTN), jnp.float32),
                   jax.ShapeDtypeStruct((1, _ATTN), jnp.float32)],
    )(kv_g, rel_c, q, *wvals, s1a, t1a, aw1)

    mean2 = s1b_s / cnt
    var2 = s2b_s / cnt - mean2 * mean2
    s2a = f(at_bn2_g).reshape(1, _ATTN) * lax.rsqrt(var2 + _EPS)
    t2a = f(at_bn2_b).reshape(1, _ATTN) - mean2 * s2a
    aw2 = f(at_W2)
    acb = f(at_cb).reshape(1, _ATTN)
    expm = (jnp.arange(_ATTN)[:, None] ==
            (jnp.arange(_C)[None, :] // _SHARED)).astype(jnp.float32)

    y = pl.pallas_call(
        _p3_kernel,
        grid=grid,
        in_specs=[kv_spec, relc_spec, q_spec] + wconsts +
                 [const_spec((1, _C)), const_spec((1, _C)),
                  const_spec((_ATTN, _C)), const_spec((1, _ATTN)),
                  const_spec((1, _ATTN)), const_spec((_ATTN, _ATTN)),
                  const_spec((1, _ATTN)), const_spec((_ATTN, _C))],
        out_specs=pl.BlockSpec((_TP, _C), lambda i: (i, 0)),
        out_shape=jax.ShapeDtypeStruct((_B * _N, _C), jnp.float32),
    )(kv_g, rel_c, q, *wvals, s1a, t1a, aw1, s2a, t2a, aw2, acb, expm)

    return y.reshape(_B, _N, _C).transpose(0, 2, 1)

# --- scband reference (transcript-rebuilt; emitter-appended) ---
"""Pipeline reference for scband-point-transformer-layer-1855425872105 (READ-ONLY COPY).

The authoritative reference and input builder live on the scoring server;
editing this copy changes nothing except your own understanding.
"""

import jax, jax.numpy as jnp
import numpy as np

B, N, K = 4, 4096, 16
IN_C, OUT_C, SHARED = 128, 128, 8
ATTN = OUT_C // SHARED


def _conv1d(x, W, b):
    return jnp.einsum('oc,bcn->bon', W, x) + b[None, :, None]


def _conv2d(x, W, b=None):
    y = jnp.einsum('oc,bcnk->bonk', W, x)
    if b is not None:
        y = y + b[None, :, None, None]
    return y


def _bn(x, g, b, eps=1e-5):
    m = jnp.mean(x, axis=(0, 2, 3), keepdims=True)
    v = jnp.var(x, axis=(0, 2, 3), keepdims=True)
    return g.reshape(1, -1, 1, 1) * (x - m) / jnp.sqrt(v + eps) + b.reshape(1, -1, 1, 1)


def _knn(p, k):
    sq = jnp.sum(p * p, axis=-1)
    d = sq[:, :, None] + sq[:, None, :] - 2.0 * jnp.einsum('bnd,bmd->bnm', p, p)
    _, idx = jax.lax.top_k(-d, k)
    return idx


def _group(feat, idx):
    return jax.vmap(lambda f, i: f[:, i])(feat, idx)


def setup_inputs(seed: int = 0):
    key = jax.random.key(seed)
    ks = jax.random.split(key, 16)
    s = 0.05
    inp = {}
    inp['p'] = jax.random.uniform(ks[0], (B, N, 3), dtype=jnp.float32)
    inp['x'] = jax.random.normal(ks[1], (B, IN_C, N), dtype=jnp.float32)
    inp['Wq'] = jax.random.normal(ks[2], (OUT_C, IN_C), dtype=jnp.float32) * s
    inp['bq'] = jnp.zeros((OUT_C,), jnp.float32)
    inp['Wk'] = jax.random.normal(ks[3], (OUT_C, IN_C), dtype=jnp.float32) * s
    inp['bk'] = jnp.zeros((OUT_C,), jnp.float32)
    inp['Wv'] = jax.random.normal(ks[4], (OUT_C, IN_C), dtype=jnp.float32) * s
    inp['bv'] = jnp.zeros((OUT_C,), jnp.float32)
    inp['pe_W1'] = jax.random.normal(ks[5], (3, 3), dtype=jnp.float32) * s
    inp['pe_bn_g'] = jnp.ones((3,), jnp.float32)
    inp['pe_bn_b'] = jnp.zeros((3,), jnp.float32)
    inp['pe_W2'] = jax.random.normal(ks[6], (OUT_C, 3), dtype=jnp.float32) * s
    inp['pe_cb'] = jnp.zeros((OUT_C,), jnp.float32)
    inp['at_bn1_g'] = jnp.ones((OUT_C,), jnp.float32)
    inp['at_bn1_b'] = jnp.zeros((OUT_C,), jnp.float32)
    inp['at_W1'] = jax.random.normal(ks[7], (ATTN, OUT_C), dtype=jnp.float32) * s
    inp['at_bn2_g'] = jnp.ones((ATTN,), jnp.float32)
    inp['at_bn2_b'] = jnp.zeros((ATTN,), jnp.float32)
    inp['at_W2'] = jax.random.normal(ks[8], (ATTN, ATTN), dtype=jnp.float32) * s
    inp['at_cb'] = jnp.zeros((ATTN,), jnp.float32)
    return inp


def reference(p, x, Wq, bq, Wk, bk, Wv, bv, pe_W1, pe_bn_g, pe_bn_b, pe_W2, pe_cb,
              at_bn1_g, at_bn1_b, at_W1, at_bn2_g, at_bn2_b, at_W2, at_cb):
    q = _conv1d(x, Wq, bq)
    k = _conv1d(x, Wk, bk)
    v = _conv1d(x, Wv, bv)
    idx = _knn(p, K)
    pt = jnp.transpose(p, (0, 2, 1))
    gx = _group(pt, idx)
    rel = gx - pt[:, :, :, None]
    n_k = _group(k, idx)
    n_v = _group(v, idx)
    h = _conv2d(rel, pe_W1)
    h = jax.nn.relu(_bn(h, pe_bn_g, pe_bn_b))
    n_r = _conv2d(h, pe_W2, pe_cb)
    n_v = n_v + n_r
    a = q[:, :, :, None] - n_k + n_r
    a = jax.nn.relu(_bn(a, at_bn1_g, at_bn1_b))
    a = _conv2d(a, at_W1)
    a = jax.nn.relu(_bn(a, at_bn2_g, at_bn2_b))
    a = _conv2d(a, at_W2, at_cb)
    a = jax.nn.softmax(a, axis=-1)
    n_v5 = n_v.reshape(n_v.shape[0], ATTN, SHARED, n_v.shape[2], n_v.shape[3])
    y = jnp.einsum('basnk,bank->basn', n_v5, a)
    return y.reshape(y.shape[0], OUT_C, y.shape[3])

if __name__ == "__main__":
    import jax
    _d = setup_inputs()
    print(jax.jit(kernel)(*tuple(_d.values())))

</pallas_src>

<mosaic_0001>
#map = affine_map<(d0, d1) -> (0, 0)>
#map1 = affine_map<(d0, d1) -> (0)>
module attributes {stable_mosaic.version = 14 : i64} {
  func.func @gk(%arg0: i32, %arg1: i32, %arg2: memref<16384x128xf32, #tpu.memory_space<hbm>>, %arg3: memref<262144xi32, #tpu.memory_space<hbm>>, %arg4: memref<262144x128xf32, #tpu.memory_space<hbm>>, %arg5: memref<256xi32, #tpu.memory_space<vmem>>, %arg6: memref<256x128xf32, #tpu.memory_space<vmem>>, %arg7: memref<!tpu.dma_semaphore, #tpu.memory_space<semaphore_mem>>) attributes {dimension_semantics = [#tpu.dimension_semantics<core_parallel>, #tpu.dimension_semantics<subcore_parallel>], iteration_bounds = array<i64: 2, 16>, scalar_prefetch = 0 : i64, scratch_operands = 3 : i64, tpu.core_type = #tpu.core_type<sc_vector_subcore>, window_params = [{transform_indices = #map}, {transform_indices = #map1}, {transform_indices = #map}]} {
    %mul3A = arith.constant 2 : i32
    %mul3A_0 = arith.muli %arg1, %mul3A : i32
    %add3A = arith.addi %mul3A_0, %arg0 : i32
    %mul3A_1 = arith.constant 8192 : i32
    %mul3A_2 = arith.muli %add3A, %mul3A_1 : i32
    %scan3A = arith.constant 0 : i32
    %scan3A_3 = arith.constant 32 : i32
    %scan3A_4 = arith.addi %scan3A, %scan3A_3 : i32
    %scan3A_5 = arith.constant 1 : i32
    scf.for %scan3A_7 = %scan3A to %scan3A_4 step %scan3A_5  : i32 {
      %mul3A_8 = arith.constant 1 : i32
      %mul3A_9 = arith.muli %scan3A_7, %mul3A_8 : i32
      %add3A_10 = arith.constant 0 : i32
      %add3A_11 = arith.addi %add3A_10, %mul3A_9 : i32
      %mul3A_12 = arith.constant 256 : i32
      %mul3A_13 = arith.muli %add3A_11, %mul3A_12 : i32
      %add3A_14 = arith.addi %mul3A_2, %mul3A_13 : i32
      "tpu.region"() ({
        %run_scoped3A = tpu.sem_alloc : memref<!tpu.dma_semaphore, #tpu.memory_space<semaphore_mem>>
        %dma_start3A_19 = tpu.memref_slice %arg3[%add3A_14] : memref<262144xi32, #tpu.memory_space<hbm>> -> memref<256xi32, #tpu.memory_space<hbm>>
        %dma_start3A_20 = tpu.memref_slice %arg3[%add3A_14] : memref<262144xi32, #tpu.memory_space<hbm>> -> memref<256xi32, #tpu.memory_space<hbm>>
        tpu.enqueue_dma source(%dma_start3A_20 : memref<256xi32, #tpu.memory_space<hbm>>) target(%arg5 : memref<256xi32, #tpu.memory_space<vmem>>) target_semaphore(%run_scoped3A : memref<!tpu.dma_semaphore, #tpu.memory_space<semaphore_mem>>)
        %dma_wait3A_21 = tpu.memref_slice %arg3[%add3A_14] : memref<262144xi32, #tpu.memory_space<hbm>> -> memref<256xi32, #tpu.memory_space<hbm>>
        %dma_wait3A_22 = tpu.memref_slice %arg3[%add3A_14] : memref<262144xi32, #tpu.memory_space<hbm>> -> memref<256xi32, #tpu.memory_space<hbm>>
        tpu.wait_dma2 semaphore(%run_scoped3A : memref<!tpu.dma_semaphore, #tpu.memory_space<semaphore_mem>>) src(%dma_wait3A_22 : memref<256xi32, #tpu.memory_space<hbm>>) dst(%arg5 : memref<256xi32, #tpu.memory_space<vmem>>)
        tpu.yield
      }) : () -> ()
      %dma_start3A = arith.constant 0 : i32
      %dma_start3A_15 = arith.constant 0 : i32
      %dma_start3A_16 = tpu.memref_slice %arg2[%dma_start3A, %dma_start3A_15] : memref<16384x128xf32, #tpu.memory_space<hbm>> -> memref<16384x128xf32, #tpu.memory_space<hbm>>
      tpu.enqueue_indirect_dma source(%dma_start3A_16 : memref<16384x128xf32, #tpu.memory_space<hbm>>) target(%arg6 : memref<256x128xf32, #tpu.memory_space<vmem>>) offsets(%arg5 : memref<256xi32, #tpu.memory_space<vmem>>) semaphore(%arg7 : memref<!tpu.dma_semaphore, #tpu.memory_space<semaphore_mem>>)
      %dma_wait3A = arith.constant 0 : i32
      %dma_wait3A_17 = arith.constant 0 : i32
      %dma_wait3A_18 = tpu.memref_slice %arg2[%dma_wait3A, %dma_wait3A_17] : memref<16384x128xf32, #tpu.memory_space<hbm>> -> memref<16384x128xf32, #tpu.memory_space<hbm>>
      tpu.wait_indirect_dma semaphore(%arg7 : memref<!tpu.dma_semaphore, #tpu.memory_space<semaphore_mem>>) src(%dma_wait3A_18 : memref<16384x128xf32, #tpu.memory_space<hbm>>) dst(%arg6 : memref<256x128xf32, #tpu.memory_space<vmem>>)
      "tpu.region"() ({
        %run_scoped3A = tpu.sem_alloc : memref<!tpu.dma_semaphore, #tpu.memory_space<semaphore_mem>>
        %dma_start3A_19 = arith.constant 0 : i32
        %dma_start3A_20 = tpu.memref_slice %arg4[%add3A_14, %dma_start3A_19] : memref<262144x128xf32, #tpu.memory_space<hbm>> -> memref<256x128xf32, #tpu.memory_space<hbm>>
        %dma_start3A_21 = arith.constant 0 : i32
        %dma_start3A_22 = tpu.memref_slice %arg4[%add3A_14, %dma_start3A_21] : memref<262144x128xf32, #tpu.memory_space<hbm>> -> memref<256x128xf32, #tpu.memory_space<hbm>>
        tpu.enqueue_dma source(%arg6 : memref<256x128xf32, #tpu.memory_space<vmem>>) target(%dma_start3A_22 : memref<256x128xf32, #tpu.memory_space<hbm>>) target_semaphore(%run_scoped3A : memref<!tpu.dma_semaphore, #tpu.memory_space<semaphore_mem>>)
        %dma_wait3A_23 = arith.constant 0 : i32
        %dma_wait3A_24 = tpu.memref_slice %arg4[%add3A_14, %dma_wait3A_23] : memref<262144x128xf32, #tpu.memory_space<hbm>> -> memref<256x128xf32, #tpu.memory_space<hbm>>
        %dma_wait3A_25 = arith.constant 0 : i32
        %dma_wait3A_26 = tpu.memref_slice %arg4[%add3A_14, %dma_wait3A_25] : memref<262144x128xf32, #tpu.memory_space<hbm>> -> memref<256x128xf32, #tpu.memory_space<hbm>>
        tpu.wait_dma2 semaphore(%run_scoped3A : memref<!tpu.dma_semaphore, #tpu.memory_space<semaphore_mem>>) src(%arg6 : memref<256x128xf32, #tpu.memory_space<vmem>>) dst(%dma_wait3A_26 : memref<256x128xf32, #tpu.memory_space<hbm>>)
        tpu.yield
      }) : () -> ()
    }
    %scan3A_6 = arith.constant 32 : i32
    return
  }
}

#map = affine_map<(d0, d1) -> (0, 0)>
#map1 = affine_map<(d0, d1) -> (0)>
module attributes {stable_mosaic.version = 14 : i64} {
  func.func @gk(%arg0: i32, %arg1: i32, %arg2: memref<16384x128xf32, #tpu.memory_space<hbm>>, %arg3: memref<262144xi32, #tpu.memory_space<hbm>>, %arg4: memref<262144x128xf32, #tpu.memory_space<hbm>>, %arg5: memref<256xi32, #tpu.memory_space<vmem>>, %arg6: memref<256x128xf32, #tpu.memory_space<vmem>>, %arg7: memref<!tpu.dma_semaphore, #tpu.memory_space<semaphore_mem>>) attributes {dimension_semantics = [#tpu.dimension_semantics<core_parallel>, #tpu.dimension_semantics<subcore_parallel>], iteration_bounds = array<i64: 2, 16>, scalar_prefetch = 0 : i64, scratch_operands = 3 : i64, tpu.core_type = #tpu.core_type<sc_vector_subcore>, window_params = [{transform_indices = #map}, {transform_indices = #map1}, {transform_indices = #map}]} {
    %mul3A = arith.constant 2 : i32
    %mul3A_0 = arith.muli %arg1, %mul3A : i32
    %add3A = arith.addi %mul3A_0, %arg0 : i32
    %mul3A_1 = arith.constant 8192 : i32
    %mul3A_2 = arith.muli %add3A, %mul3A_1 : i32
    %scan3A = arith.constant 0 : i32
    %scan3A_3 = arith.constant 32 : i32
    %scan3A_4 = arith.addi %scan3A, %scan3A_3 : i32
    %scan3A_5 = arith.constant 1 : i32
    scf.for %scan3A_7 = %scan3A to %scan3A_4 step %scan3A_5  : i32 {
      %mul3A_8 = arith.constant 1 : i32
      %mul3A_9 = arith.muli %scan3A_7, %mul3A_8 : i32
      %add3A_10 = arith.constant 0 : i32
      %add3A_11 = arith.addi %add3A_10, %mul3A_9 : i32
      %mul3A_12 = arith.constant 256 : i32
      %mul3A_13 = arith.muli %add3A_11, %mul3A_12 : i32
      %add3A_14 = arith.addi %mul3A_2, %mul3A_13 : i32
      "tpu.region"() ({
        %run_scoped3A = tpu.sem_alloc : memref<!tpu.dma_semaphore, #tpu.memory_space<semaphore_mem>>
        %dma_start3A_19 = tpu.memref_slice %arg3[%add3A_14] : memref<262144xi32, #tpu.memory_space<hbm>> -> memref<256xi32, #tpu.memory_space<hbm>>
        %dma_start3A_20 = tpu.memref_slice %arg3[%add3A_14] : memref<262144xi32, #tpu.memory_space<hbm>> -> memref<256xi32, #tpu.memory_space<hbm>>
        tpu.enqueue_dma source(%dma_start3A_20 : memref<256xi32, #tpu.memory_space<hbm>>) target(%arg5 : memref<256xi32, #tpu.memory_space<vmem>>) target_semaphore(%run_scoped3A : memref<!tpu.dma_semaphore, #tpu.memory_space<semaphore_mem>>)
        %dma_wait3A_21 = tpu.memref_slice %arg3[%add3A_14] : memref<262144xi32, #tpu.memory_space<hbm>> -> memref<256xi32, #tpu.memory_space<hbm>>
        %dma_wait3A_22 = tpu.memref_slice %arg3[%add3A_14] : memref<262144xi32, #tpu.memory_space<hbm>> -> memref<256xi32, #tpu.memory_space<hbm>>
        tpu.wait_dma2 semaphore(%run_scoped3A : memref<!tpu.dma_semaphore, #tpu.memory_space<semaphore_mem>>) src(%dma_wait3A_22 : memref<256xi32, #tpu.memory_space<hbm>>) dst(%arg5 : memref<256xi32, #tpu.memory_space<vmem>>)
        tpu.yield
      }) : () -> ()
      %dma_start3A = arith.constant 0 : i32
      %dma_start3A_15 = arith.constant 0 : i32
      %dma_start3A_16 = tpu.memref_slice %arg2[%dma_start3A, %dma_start3A_15] : memref<16384x128xf32, #tpu.memory_space<hbm>> -> memref<16384x128xf32, #tpu.memory_space<hbm>>
      tpu.enqueue_indirect_dma source(%dma_start3A_16 : memref<16384x128xf32, #tpu.memory_space<hbm>>) target(%arg6 : memref<256x128xf32, #tpu.memory_space<vmem>>) offsets(%arg5 : memref<256xi32, #tpu.memory_space<vmem>>) semaphore(%arg7 : memref<!tpu.dma_semaphore, #tpu.memory_space<semaphore_mem>>)
      %dma_wait3A = arith.constant 0 : i32
      %dma_wait3A_17 = arith.constant 0 : i32
      %dma_wait3A_18 = tpu.memref_slice %arg2[%dma_wait3A, %dma_wait3A_17] : memref<16384x128xf32, #tpu.memory_space<hbm>> -> memref<16384x128xf32, #tpu.memory_space<hbm>>
      tpu.wait_indirect_dma semaphore(%arg7 : memref<!tpu.dma_semaphore, #tpu.memory_space<semaphore_mem>>) src(%dma_wait3A_18 : memref<16384x128xf32, #tpu.memory_space<hbm>>) dst(%arg6 : memref<256x128xf32, #tpu.memory_space<vmem>>)
      "tpu.region"() ({
        %run_scoped3A = tpu.sem_alloc : memref<!tpu.dma_semaphore, #tpu.memory_space<semaphore_mem>>
        %dma_start3A_19 = arith.constant 0 : i32
        %dma_start3A_20 = tpu.memref_slice %arg4[%add3A_14, %dma_start3A_19] : memref<262144x128xf32, #tpu.memory_space<hbm>> -> memref<256x128xf32, #tpu.memory_space<hbm>>
        %dma_start3A_21 = arith.constant 0 : i32
        %dma_start3A_22 = tpu.memref_slice %arg4[%add3A_14, %dma_start3A_21] : memref<262144x128xf32, #tpu.memory_space<hbm>> -> memref<256x128xf32, #tpu.memory_space<hbm>>
        tpu.enqueue_dma source(%arg6 : memref<256x128xf32, #tpu.memory_space<vmem>>) target(%dma_start3A_22 : memref<256x128xf32, #tpu.memory_space<hbm>>) target_semaphore(%run_scoped3A : memref<!tpu.dma_semaphore, #tpu.memory_space<semaphore_mem>>)
        %dma_wait3A_23 = arith.constant 0 : i32
        %dma_wait3A_24 = tpu.memref_slice %arg4[%add3A_14, %dma_wait3A_23] : memref<262144x128xf32, #tpu.memory_space<hbm>> -> memref<256x128xf32, #tpu.memory_space<hbm>>
        %dma_wait3A_25 = arith.constant 0 : i32
        %dma_wait3A_26 = tpu.memref_slice %arg4[%add3A_14, %dma_wait3A_25] : memref<262144x128xf32, #tpu.memory_space<hbm>> -> memref<256x128xf32, #tpu.memory_space<hbm>>
        tpu.wait_dma2 semaphore(%run_scoped3A : memref<!tpu.dma_semaphore, #tpu.memory_space<semaphore_mem>>) src(%arg6 : memref<256x128xf32, #tpu.memory_space<vmem>>) dst(%dma_wait3A_26 : memref<256x128xf32, #tpu.memory_space<hbm>>)
        tpu.yield
      }) : () -> ()
    }
    %scan3A_6 = arith.constant 32 : i32
    return
  }
}

module attributes {stable_mosaic.version = 14 : i64} {
  func.func @_knn_kernel(%arg0: i32, %arg1: i32, %arg2: memref<1x256x16xf32, #tpu.memory_space<vmem>>, %arg3: memref<1x4096x16xf32, #tpu.memory_space<vmem>>, %arg4: memref<1x8x4096xf32, #tpu.memory_space<vmem>>, %arg5: memref<1x256x16xi32, #tpu.memory_space<vmem>>) attributes {dimension_semantics = [#tpu.dimension_semantics<parallel>, #tpu.dimension_semantics<parallel>], iteration_bounds = array<i64: 4, 16>, scalar_prefetch = 0 : i64, scratch_operands = 0 : i64, tpu.core_type = #tpu.core_type<tc>, window_params = [{transform_indices = @transform_0, window_bounds = array<i64: 1, 256, 16>}, {transform_indices = @transform_1, window_bounds = array<i64: 1, 4096, 16>}, {transform_indices = @transform_2, window_bounds = array<i64: 1, 8, 4096>}, {transform_indices = @transform_3, window_bounds = array<i64: 1, 256, 16>}]} {
    %get3A = arith.constant 0 : index
    %get3A_0 = arith.constant 0 : index
    %get3A_1 = arith.constant 0 : index
    %get3A_2 = vector.load %arg2[%get3A, %get3A_0, %get3A_1] : memref<1x256x16xf32, #tpu.memory_space<vmem>>, vector<1x256x16xf32>
    %get3A_3 = vector.shape_cast %get3A_2 : vector<1x256x16xf32> to vector<256x16xf32>
    %get3A_4 = arith.constant 0 : index
    %get3A_5 = arith.constant 0 : index
    %get3A_6 = arith.constant 0 : index
    %get3A_7 = vector.load %arg3[%get3A_4, %get3A_5, %get3A_6] : memref<1x4096x16xf32, #tpu.memory_space<vmem>>, vector<1x4096x16xf32>
    %get3A_8 = vector.shape_cast %get3A_7 : vector<1x4096x16xf32> to vector<4096x16xf32>
    %get3A_9 = arith.constant 0 : index
    %get3A_10 = arith.constant 0 : index
    %get3A_11 = arith.constant 0 : index
    %get3A_12 = vector.load %arg4[%get3A_9, %get3A_10, %get3A_11] : memref<1x8x4096xf32, #tpu.memory_space<vmem>>, vector<1x8x4096xf32>
    %get3A_13 = vector.shape_cast %get3A_12 : vector<1x8x4096xf32> to vector<8x4096xf32>
    %slice3A = vector.extract_strided_slice %get3A_3 {offsets = [0, 0], sizes = [256, 1], strides = [1, 1]} : vector<256x16xf32> to vector<256x1xf32>
    %slice3A_14 = vector.extract_strided_slice %get3A_3 {offsets = [0, 0], sizes = [256, 1], strides = [1, 1]} : vector<256x16xf32> to vector<256x1xf32>
    %mul3A = arith.mulf %slice3A, %slice3A_14 : vector<256x1xf32>
    %slice3A_15 = vector.extract_strided_slice %get3A_3 {offsets = [0, 1], sizes = [256, 1], strides = [1, 1]} : vector<256x16xf32> to vector<256x1xf32>
    %slice3A_16 = vector.extract_strided_slice %get3A_3 {offsets = [0, 1], sizes = [256, 1], strides = [1, 1]} : vector<256x16xf32> to vector<256x1xf32>
    %mul3A_17 = arith.mulf %slice3A_15, %slice3A_16 : vector<256x1xf32>
    %add3A = arith.addf %mul3A, %mul3A_17 : vector<256x1xf32>
    %slice3A_18 = vector.extract_strided_slice %get3A_3 {offsets = [0, 2], sizes = [256, 1], strides = [1, 1]} : vector<256x16xf32> to vector<256x1xf32>
    %slice3A_19 = vector.extract_strided_slice %get3A_3 {offsets = [0, 2], sizes = [256, 1], strides = [1, 1]} : vector<256x16xf32> to vector<256x1xf32>
    %mul3A_20 = arith.mulf %slice3A_18, %slice3A_19 : vector<256x1xf32>
    %add3A_21 = arith.addf %add3A, %mul3A_20 : vector<256x1xf32>
    %slice3A_22 = vector.extract_strided_slice %get3A_13 {offsets = [0, 0], sizes = [1, 4096], strides = [1, 1]} : vector<8x4096xf32> to vector<1x4096xf32>
    %slice3A_23 = vector.extract_strided_slice %get3A_13 {offsets = [0, 0], sizes = [1, 4096], strides = [1, 1]} : vector<8x4096xf32> to vector<1x4096xf32>
    %mul3A_24 = arith.mulf %slice3A_22, %slice3A_23 : vector<1x4096xf32>
    %slice3A_25 = vector.extract_strided_slice %get3A_13 {offsets = [1, 0], sizes = [1, 4096], strides = [1, 1]} : vector<8x4096xf32> to vector<1x4096xf32>
    %slice3A_26 = vector.extract_strided_slice %get3A_13 {offsets = [1, 0], sizes = [1, 4096], strides = [1, 1]} : vector<8x4096xf32> to vector<1x4096xf32>
    %mul3A_27 = arith.mulf %slice3A_25, %slice3A_26 : vector<1x4096xf32>
    %add3A_28 = arith.addf %mul3A_24, %mul3A_27 : vector<1x4096xf32>
    %slice3A_29 = vector.extract_strided_slice %get3A_13 {offsets = [2, 0], sizes = [1, 4096], strides = [1, 1]} : vector<8x4096xf32> to vector<1x4096xf32>
    %slice3A_30 = vector.extract_strided_slice %get3A_13 {offsets = [2, 0], sizes = [1, 4096], strides = [1, 1]} : vector<8x4096xf32> to vector<1x4096xf32>
    %mul3A_31 = arith.mulf %slice3A_29, %slice3A_30 : vector<1x4096xf32>
    %add3A_32 = arith.addf %add3A_28, %mul3A_31 : vector<1x4096xf32>
    %convert_element_type3A = arith.truncf %get3A_3 : vector<256x16xf32> to vector<256x16xbf16>
    %convert_element_type3A_33 = arith.truncf %get3A_8 : vector<4096x16xf32> to vector<4096x16xbf16>
    %dot_general3A = arith.constant dense<0.000000e+00> : vector<256x4096xf32>
    %dot_general3A_34 = tpu.matmul %convert_element_type3A, %convert_element_type3A_33, %dot_general3A {dimension_numbers = #tpu.dot_dimension_numbers<[1], [1], [0], [0], [0, 0, 1, 0], [], []>, transpose_lhs_hint = false} : vector<256x16xbf16>, vector<4096x16xbf16>, vector<256x4096xf32> -> vector<256x4096xf32>
    %add3A_35 = vector.broadcast %add3A_21 : vector<256x1xf32> to vector<256x4096xf32>
    %add3A_36 = vector.broadcast %add3A_32 : vector<1x4096xf32> to vector<256x4096xf32>
    %add3A_37 = arith.addf %add3A_35, %add3A_36 : vector<256x4096xf32>
    %mul3A_38 = arith.constant 2.000000e+00 : f32
    %mul3A_39 = vector.broadcast %mul3A_38 : f32 to vector<256x4096xf32>
    %mul3A_40 = arith.mulf %mul3A_39, %dot_general3A_34 : vector<256x4096xf32>
    %sub3A = arith.subf %add3A_37, %mul3A_40 : vector<256x4096xf32>
    %iota3A = tpu.iota {dimensions = array<i32: 1>} : vector<256x4096xi32>
    %reduce_min3A = arith.constant dense<0x7F800000> : vector<256xf32>
    %reduce_min3A_41 = vector.multi_reduction <minimumf>, %sub3A, %reduce_min3A [1] : vector<256x4096xf32> to vector<256xf32>
    %broadcast_in_dim3A = vector.shape_cast %reduce_min3A_41 : vector<256xf32> to vector<256x1xf32>
    %eq3A = vector.broadcast %broadcast_in_dim3A : vector<256x1xf32> to vector<256x4096xf32>
    %eq3A_42 = arith.cmpf oeq, %sub3A, %eq3A : vector<256x4096xf32>
    %jit3A = arith.constant 1073741824 : i32
    %broadcast_in_dim3A_43 = vector.broadcast %jit3A : i32 to vector<256x4096xi32>
    %select_n3A = arith.select %eq3A_42, %iota3A, %broadcast_in_dim3A_43 : vector<256x4096xi1>, vector<256x4096xi32>
    %reduce_min3A_44 = arith.constant dense<2147483647> : vector<256xi32>
    %reduce_min3A_45 = vector.multi_reduction <minsi>, %select_n3A, %reduce_min3A_44 [1] : vector<256x4096xi32> to vector<256xi32>
    %broadcast_in_dim3A_46 = vector.shape_cast %reduce_min3A_45 : vector<256xi32> to vector<256x1xi32>
    %eq3A_47 = vector.broadcast %broadcast_in_dim3A_46 : vector<256x1xi32> to vector<256x4096xi32>
    %eq3A_48 = arith.cmpi eq, %select_n3A, %eq3A_47 : vector<256x4096xi32>
    %jit3A_49 = arith.constant 3.000000e+38 : f32
    %broadcast_in_dim3A_50 = vector.broadcast %jit3A_49 : f32 to vector<256x4096xf32>
    %select_n3A_51 = arith.select %eq3A_48, %broadcast_in_dim3A_50, %sub3A : vector<256x4096xi1>, vector<256x4096xf32>
    %reduce_min3A_52 = arith.constant dense<0x7F800000> : vector<256xf32>
    %reduce_min3A_53 = vector.multi_reduction <minimumf>, %select_n3A_51, %reduce_min3A_52 [1] : vector<256x4096xf32> to vector<256xf32>
    %broadcast_in_dim3A_54 = vector.shape_cast %reduce_min3A_53 : vector<256xf32> to vector<256x1xf32>
    %eq3A_55 = vector.broadcast %broadcast_in_dim3A_54 : vector<256x1xf32> to vector<256x4096xf32>
    %eq3A_56 = arith.cmpf oeq, %select_n3A_51, %eq3A_55 : vector<256x4096xf32>
    %jit3A_57 = arith.constant 1073741824 : i32
    %broadcast_in_dim3A_58 = vector.broadcast %jit3A_57 : i32 to vector<256x4096xi32>
    %select_n3A_59 = arith.select %eq3A_56, %iota3A, %broadcast_in_dim3A_58 : vector<256x4096xi1>, vector<256x4096xi32>
    %reduce_min3A_60 = arith.constant dense<2147483647> : vector<256xi32>
    %reduce_min3A_61 = vector.multi_reduction <minsi>, %select_n3A_59, %reduce_min3A_60 [1] : vector<256x4096xi32> to vector<256xi32>
    %broadcast_in_dim3A_62 = vector.shape_cast %reduce_min3A_61 : vector<256xi32> to vector<256x1xi32>
    %eq3A_63 = vector.broadcast %broadcast_in_dim3A_62 : vector<256x1xi32> to vector<256x4096xi32>
    %eq3A_64 = arith.cmpi eq, %select_n3A_59, %eq3A_63 : vector<256x4096xi32>
    %jit3A_65 = arith.constant 3.000000e+38 : f32
    %broadcast_in_dim3A_66 = vector.broadcast %jit3A_65 : f32 to vector<256x4096xf32>
    %select_n3A_67 = arith.select %eq3A_64, %broadcast_in_dim3A_66, %select_n3A_51 : vector<256x4096xi1>, vector<256x4096xf32>
    %reduce_min3A_68 = arith.constant dense<0x7F800000> : vector<256xf32>
    %reduce_min3A_69 = vector.multi_reduction <minimumf>, %select_n3A_67, %reduce_min3A_68 [1] : vector<256x4096xf32> to vector<256xf32>
    %broadcast_in_dim3A_70 = vector.shape_cast %reduce_min3A_69 : vector<256xf32> to vector<256x1xf32>
    %eq3A_71 = vector.broadcast %broadcast_in_dim3A_70 : vector<256x1xf32> to vector<256x4096xf32>
    %eq3A_72 = arith.cmpf oeq, %select_n3A_67, %eq3A_71 : vector<256x4096xf32>
    %jit3A_73 = arith.constant 1073741824 : i32
    %broadcast_in_dim3A_74 = vector.broadcast %jit3A_73 : i32 to vector<256x4096xi32>
    %select_n3A_75 = arith.select %eq3A_72, %iota3A, %broadcast_in_dim3A_74 : vector<256x4096xi1>, vector<256x4096xi32>
    %reduce_min3A_76 = arith.constant dense<2147483647> : vector<256xi32>
    %reduce_min3A_77 = vector.multi_reduction <minsi>, %select_n3A_75, %reduce_min3A_76 [1] : vector<256x4096xi32> to vector<256xi32>
    %broadcast_in_dim3A_78 = vector.shape_cast %reduce_min3A_77 : vector<256xi32> to vector<256x1xi32>
    %eq3A_79 = vector.broadcast %broadcast_in_dim3A_78 : vector<256x1xi32> to vector<256x4096xi32>
    %eq3A_80 = arith.cmpi eq, %select_n3A_75, %eq3A_79 : vector<256x4096xi32>
    %jit3A_81 = arith.constant 3.000000e+38 : f32
    %broadcast_in_dim3A_82 = vector.broadcast %jit3A_81 : f32 to vector<256x4096xf32>
    %select_n3A_83 = arith.select %eq3A_80, %broadcast_in_dim3A_82, %select_n3A_67 : vector<256x4096xi1>, vector<256x4096xf32>
    %reduce_min3A_84 = arith.constant dense<0x7F800000> : vector<256xf32>
    %reduce_min3A_85 = vector.multi_reduction <minimumf>, %select_n3A_83, %reduce_min3A_84 [1] : vector<256x4096xf32> to vector<256xf32>
    %broadcast_in_dim3A_86 = vector.shape_cast %reduce_min3A_85 : vector<256xf32> to vector<256x1xf32>
    %eq3A_87 = vector.broadcast %broadcast_in_dim3A_86 : vector<256x1xf32> to vector<256x4096xf32>
    %eq3A_88 = arith.cmpf oeq, %select_n3A_83, %eq3A_87 : vector<256x4096xf32>
    %jit3A_89 = arith.constant 1073741824 : i32
    %broadcast_in_dim3A_90 = vector.broadcast %jit3A_89 : i32 to vector<256x4096xi32>
    %select_n3A_91 = arith.select %eq3A_88, %iota3A, %broadcast_in_dim3A_90 : vector<256x4096xi1>, vector<256x4096xi32>
    %reduce_min3A_92 = arith.constant dense<2147483647> : vector<256xi32>
    %reduce_min3A_93 = vector.multi_reduction <minsi>, %select_n3A_91, %reduce_min3A_92 [1] : vector<256x4096xi32> to vector<256xi32>
    %broadcast_in_dim3A_94 = vector.shape_cast %reduce_min3A_93 : vector<256xi32> to vector<256x1xi32>
    %eq3A_95 = vector.broadcast %broadcast_in_dim3A_94 : vector<256x1xi32> to vector<256x4096xi32>
    %eq3A_96 = arith.cmpi eq, %select_n3A_91, %eq3A_95 : vector<256x4096xi32>
    %jit3A_97 = arith.constant 3.000000e+38 : f32
    %broadcast_in_dim3A_98 = vector.broadcast %jit3A_97 : f32 to vector<256x4096xf32>
    %select_n3A_99 = arith.select %eq3A_96, %broadcast_in_dim3A_98, %select_n3A_83 : vector<256x4096xi1>, vector<256x4096xf32>
    %reduce_min3A_100 = arith.constant dense<0x7F800000> : vector<256xf32>
    %reduce_min3A_101 = vector.multi_reduction <minimumf>, %select_n3A_99, %reduce_min3A_100 [1] : vector<256x4096xf32> to vector<256xf32>
    %broadcast_in_dim3A_102 = vector.shape_cast %reduce_min3A_101 : vector<256xf32> to vector<256x1xf32>
    %eq3A_103 = vector.broadcast %broadcast_in_dim3A_102 : vector<256x1xf32> to vector<256x4096xf32>
    %eq3A_104 = arith.cmpf oeq, %select_n3A_99, %eq3A_103 : vector<256x4096xf32>
    %jit3A_105 = arith.constant 1073741824 : i32
    %broadcast_in_dim3A_106 = vector.broadcast %jit3A_105 : i32 to vector<256x4096xi32>
    %select_n3A_107 = arith.select %eq3A_104, %iota3A, %broadcast_in_dim3A_106 : vector<256x4096xi1>, vector<256x4096xi32>
    %reduce_min3A_108 = arith.constant dense<2147483647> : vector<256xi32>
    %reduce_min3A_109 = vector.multi_reduction <minsi>, %select_n3A_107, %reduce_min3A_108 [1] : vector<256x4096xi32> to vector<256xi32>
    %broadcast_in_dim3A_110 = vector.shape_cast %reduce_min3A_109 : vector<256xi32> to vector<256x1xi32>
    %eq3A_111 = vector.broadcast %broadcast_in_dim3A_110 : vector<256x1xi32> to vector<256x4096xi32>
    %eq3A_112 = arith.cmpi eq, %select_n3A_107, %eq3A_111 : vector<256x4096xi32>
    %jit3A_113 = arith.constant 3.000000e+38 : f32
    %broadcast_in_dim3A_114 = vector.broadcast %jit3A_113 : f32 to vector<256x4096xf32>
    %select_n3A_115 = arith.select %eq3A_112, %broadcast_in_dim3A_114, %select_n3A_99 : vector<256x4096xi1>, vector<256x4096xf32>
    %reduce_min3A_116 = arith.constant dense<0x7F800000> : vector<256xf32>
    %reduce_min3A_117 = vector.multi_reduction <minimumf>, %select_n3A_115, %reduce_min3A_116 [1] : vector<256x4096xf32> to vector<256xf32>
    %broadcast_in_dim3A_118 = vector.shape_cast %reduce_min3A_117 : vector<256xf32> to vector<256x1xf32>
    %eq3A_119 = vector.broadcast %broadcast_in_dim3A_118 : vector<256x1xf32> to vector<256x4096xf32>
    %eq3A_120 = arith.cmpf oeq, %select_n3A_115, %eq3A_119 : vector<256x4096xf32>
    %jit3A_121 = arith.constant 1073741824 : i32
    %broadcast_in_dim3A_122 = vector.broadcast %jit3A_121 : i32 to vector<256x4096xi32>
    %select_n3A_123 = arith.select %eq3A_120, %iota3A, %broadcast_in_dim3A_122 : vector<256x4096xi1>, vector<256x4096xi32>
    %reduce_min3A_124 = arith.constant dense<2147483647> : vector<256xi32>
    %reduce_min3A_125 = vector.multi_reduction <minsi>, %select_n3A_123, %reduce_min3A_124 [1] : vector<256x4096xi32> to vector<256xi32>
    %broadcast_in_dim3A_126 = vector.shape_cast %reduce_min3A_125 : vector<256xi32> to vector<256x1xi32>
    %eq3A_127 = vector.broadcast %broadcast_in_dim3A_126 : vector<256x1xi32> to vector<256x4096xi32>
    %eq3A_128 = arith.cmpi eq, %select_n3A_123, %eq3A_127 : vector<256x4096xi32>
    %jit3A_129 = arith.constant 3.000000e+38 : f32
    %broadcast_in_dim3A_130 = vector.broadcast %jit3A_129 : f32 to vector<256x4096xf32>
    %select_n3A_131 = arith.select %eq3A_128, %broadcast_in_dim3A_130, %select_n3A_115 : vector<256x4096xi1>, vector<256x4096xf32>
    %reduce_min3A_132 = arith.constant dense<0x7F800000> : vector<256xf32>
    %reduce_min3A_133 = vector.multi_reduction <minimumf>, %select_n3A_131, %reduce_min3A_132 [1] : vector<256x4096xf32> to vector<256xf32>
    %broadcast_in_dim3A_134 = vector.shape_cast %reduce_min3A_133 : vector<256xf32> to vector<256x1xf32>
    %eq3A_135 = vector.broadcast %broadcast_in_dim3A_134 : vector<256x1xf32> to vector<256x4096xf32>
    %eq3A_136 = arith.cmpf oeq, %select_n3A_131, %eq3A_135 : vector<256x4096xf32>
    %jit3A_137 = arith.constant 1073741824 : i32
    %broadcast_in_dim3A_138 = vector.broadcast %jit3A_137 : i32 to vector<256x4096xi32>
    %select_n3A_139 = arith.select %eq3A_136, %iota3A, %broadcast_in_dim3A_138 : vector<256x4096xi1>, vector<256x4096xi32>
    %reduce_min3A_140 = arith.constant dense<2147483647> : vector<256xi32>
    %reduce_min3A_141 = vector.multi_reduction <minsi>, %select_n3A_139, %reduce_min3A_140 [1] : vector<256x4096xi32> to vector<256xi32>
    %broadcast_in_dim3A_142 = vector.shape_cast %reduce_min3A_141 : vector<256xi32> to vector<256x1xi32>
    %eq3A_143 = vector.broadcast %broadcast_in_dim3A_142 : vector<256x1xi32> to vector<256x4096xi32>
    %eq3A_144 = arith.cmpi eq, %select_n3A_139, %eq3A_143 : vector<256x4096xi32>
    %jit3A_145 = arith.constant 3.000000e+38 : f32
    %broadcast_in_dim3A_146 = vector.broadcast %jit3A_145 : f32 to vector<256x4096xf32>
    %select_n3A_147 = arith.select %eq3A_144, %broadcast_in_dim3A_146, %select_n3A_131 : vector<256x4096xi1>, vector<256x4096xf32>
    %reduce_min3A_148 = arith.constant dense<0x7F800000> : vector<256xf32>
    %reduce_min3A_149 = vector.multi_reduction <minimumf>, %select_n3A_147, %reduce_min3A_148 [1] : vector<256x4096xf32> to vector<256xf32>
    %broadcast_in_dim3A_150 = vector.shape_cast %reduce_min3A_149 : vector<256xf32> to vector<256x1xf32>
    %eq3A_151 = vector.broadcast %broadcast_in_dim3A_150 : vector<256x1xf32> to vector<256x4096xf32>
    %eq3A_152 = arith.cmpf oeq, %select_n3A_147, %eq3A_151 : vector<256x4096xf32>
    %jit3A_153 = arith.constant 1073741824 : i32
    %broadcast_in_dim3A_154 = vector.broadcast %jit3A_153 : i32 to vector<256x4096xi32>
    %select_n3A_155 = arith.select %eq3A_152, %iota3A, %broadcast_in_dim3A_154 : vector<256x4096xi1>, vector<256x4096xi32>
    %reduce_min3A_156 = arith.constant dense<2147483647> : vector<256xi32>
    %reduce_min3A_157 = vector.multi_reduction <minsi>, %select_n3A_155, %reduce_min3A_156 [1] : vector<256x4096xi32> to vector<256xi32>
    %broadcast_in_dim3A_158 = vector.shape_cast %reduce_min3A_157 : vector<256xi32> to vector<256x1xi32>
    %eq3A_159 = vector.broadcast %broadcast_in_dim3A_158 : vector<256x1xi32> to vector<256x4096xi32>
    %eq3A_160 = arith.cmpi eq, %select_n3A_155, %eq3A_159 : vector<256x4096xi32>
    %jit3A_161 = arith.constant 3.000000e+38 : f32
    %broadcast_in_dim3A_162 = vector.broadcast %jit3A_161 : f32 to vector<256x4096xf32>
    %select_n3A_163 = arith.select %eq3A_160, %broadcast_in_dim3A_162, %select_n3A_147 : vector<256x4096xi1>, vector<256x4096xf32>
    %reduce_min3A_164 = arith.constant dense<0x7F800000> : vector<256xf32>
    %reduce_min3A_165 = vector.multi_reduction <minimumf>, %select_n3A_163, %reduce_min3A_164 [1] : vector<256x4096xf32> to vector<256xf32>
    %broadcast_in_dim3A_166 = vector.shape_cast %reduce_min3A_165 : vector<256xf32> to vector<256x1xf32>
    %eq3A_167 = vector.broadcast %broadcast_in_dim3A_166 : vector<256x1xf32> to vector<256x4096xf32>
    %eq3A_168 = arith.cmpf oeq, %select_n3A_163, %eq3A_167 : vector<256x4096xf32>
    %jit3A_169 = arith.constant 1073741824 : i32
    %broadcast_in_dim3A_170 = vector.broadcast %jit3A_169 : i32 to vector<256x4096xi32>
    %select_n3A_171 = arith.select %eq3A_168, %iota3A, %broadcast_in_dim3A_170 : vector<256x4096xi1>, vector<256x4096xi32>
    %reduce_min3A_172 = arith.constant dense<2147483647> : vector<256xi32>
    %reduce_min3A_173 = vector.multi_reduction <minsi>, %select_n3A_171, %reduce_min3A_172 [1] : vector<256x4096xi32> to vector<256xi32>
    %broadcast_in_dim3A_174 = vector.shape_cast %reduce_min3A_173 : vector<256xi32> to vector<256x1xi32>
    %eq3A_175 = vector.broadcast %broadcast_in_dim3A_174 : vector<256x1xi32> to vector<256x4096xi32>
    %eq3A_176 = arith.cmpi eq, %select_n3A_171, %eq3A_175 : vector<256x4096xi32>
    %jit3A_177 = arith.constant 3.000000e+38 : f32
    %broadcast_in_dim3A_178 = vector.broadcast %jit3A_177 : f32 to vector<256x4096xf32>
    %select_n3A_179 = arith.select %eq3A_176, %broadcast_in_dim3A_178, %select_n3A_163 : vector<256x4096xi1>, vector<256x4096xf32>
    %reduce_min3A_180 = arith.constant dense<0x7F800000> : vector<256xf32>
    %reduce_min3A_181 = vector.multi_reduction <minimumf>, %select_n3A_179, %reduce_min3A_180 [1] : vector<256x4096xf32> to vector<256xf32>
    %broadcast_in_dim3A_182 = vector.shape_cast %reduce_min3A_181 : vector<256xf32> to vector<256x1xf32>
    %eq3A_183 = vector.broadcast %broadcast_in_dim3A_182 : vector<256x1xf32> to vector<256x4096xf32>
    %eq3A_184 = arith.cmpf oeq, %select_n3A_179, %eq3A_183 : vector<256x4096xf32>
    %jit3A_185 = arith.constant 1073741824 : i32
    %broadcast_in_dim3A_186 = vector.broadcast %jit3A_185 : i32 to vector<256x4096xi32>
    %select_n3A_187 = arith.select %eq3A_184, %iota3A, %broadcast_in_dim3A_186 : vector<256x4096xi1>, vector<256x4096xi32>
    %reduce_min3A_188 = arith.constant dense<2147483647> : vector<256xi32>
    %reduce_min3A_189 = vector.multi_reduction <minsi>, %select_n3A_187, %reduce_min3A_188 [1] : vector<256x4096xi32> to vector<256xi32>
    %broadcast_in_dim3A_190 = vector.shape_cast %reduce_min3A_189 : vector<256xi32> to vector<256x1xi32>
    %eq3A_191 = vector.broadcast %broadcast_in_dim3A_190 : vector<256x1xi32> to vector<256x4096xi32>
    %eq3A_192 = arith.cmpi eq, %select_n3A_187, %eq3A_191 : vector<256x4096xi32>
    %jit3A_193 = arith.constant 3.000000e+38 : f32
    %broadcast_in_dim3A_194 = vector.broadcast %jit3A_193 : f32 to vector<256x4096xf32>
    %select_n3A_195 = arith.select %eq3A_192, %broadcast_in_dim3A_194, %select_n3A_179 : vector<256x4096xi1>, vector<256x4096xf32>
    %reduce_min3A_196 = arith.constant dense<0x7F800000> : vector<256xf32>
    %reduce_min3A_197 = vector.multi_reduction <minimumf>, %select_n3A_195, %reduce_min3A_196 [1] : vector<256x4096xf32> to vector<256xf32>
    %broadcast_in_dim3A_198 = vector.shape_cast %reduce_min3A_197 : vector<256xf32> to vector<256x1xf32>
    %eq3A_199 = vector.broadcast %broadcast_in_dim3A_198 : vector<256x1xf32> to vector<256x4096xf32>
    %eq3A_200 = arith.cmpf oeq, %select_n3A_195, %eq3A_199 : vector<256x4096xf32>
    %jit3A_201 = arith.constant 1073741824 : i32
    %broadcast_in_dim3A_202 = vector.broadcast %jit3A_201 : i32 to vector<256x4096xi32>
    %select_n3A_203 = arith.select %eq3A_200, %iota3A, %broadcast_in_dim3A_202 : vector<256x4096xi1>, vector<256x4096xi32>
    %reduce_min3A_204 = arith.constant dense<2147483647> : vector<256xi32>
    %reduce_min3A_205 = vector.multi_reduction <minsi>, %select_n3A_203, %reduce_min3A_204 [1] : vector<256x4096xi32> to vector<256xi32>
    %broadcast_in_dim3A_206 = vector.shape_cast %reduce_min3A_205 : vector<256xi32> to vector<256x1xi32>
    %eq3A_207 = vector.broadcast %broadcast_in_dim3A_206 : vector<256x1xi32> to vector<256x4096xi32>
    %eq3A_208 = arith.cmpi eq, %select_n3A_203, %eq3A_207 : vector<256x4096xi32>
    %jit3A_209 = arith.constant 3.000000e+38 : f32
    %broadcast_in_dim3A_210 = vector.broadcast %jit3A_209 : f32 to vector<256x4096xf32>
    %select_n3A_211 = arith.select %eq3A_208, %broadcast_in_dim3A_210, %select_n3A_195 : vector<256x4096xi1>, vector<256x4096xf32>
    %reduce_min3A_212 = arith.constant dense<0x7F800000> : vector<256xf32>
    %reduce_min3A_213 = vector.multi_reduction <minimumf>, %select_n3A_211, %reduce_min3A_212 [1] : vector<256x4096xf32> to vector<256xf32>
    %broadcast_in_dim3A_214 = vector.shape_cast %reduce_min3A_213 : vector<256xf32> to vector<256x1xf32>
    %eq3A_215 = vector.broadcast %broadcast_in_dim3A_214 : vector<256x1xf32> to vector<256x4096xf32>
    %eq3A_216 = arith.cmpf oeq, %select_n3A_211, %eq3A_215 : vector<256x4096xf32>
    %jit3A_217 = arith.constant 1073741824 : i32
    %broadcast_in_dim3A_218 = vector.broadcast %jit3A_217 : i32 to vector<256x4096xi32>
    %select_n3A_219 = arith.select %eq3A_216, %iota3A, %broadcast_in_dim3A_218 : vector<256x4096xi1>, vector<256x4096xi32>
    %reduce_min3A_220 = arith.constant dense<2147483647> : vector<256xi32>
    %reduce_min3A_221 = vector.multi_reduction <minsi>, %select_n3A_219, %reduce_min3A_220 [1] : vector<256x4096xi32> to vector<256xi32>
    %broadcast_in_dim3A_222 = vector.shape_cast %reduce_min3A_221 : vector<256xi32> to vector<256x1xi32>
    %eq3A_223 = vector.broadcast %broadcast_in_dim3A_222 : vector<256x1xi32> to vector<256x4096xi32>
    %eq3A_224 = arith.cmpi eq, %select_n3A_219, %eq3A_223 : vector<256x4096xi32>
    %jit3A_225 = arith.constant 3.000000e+38 : f32
    %broadcast_in_dim3A_226 = vector.broadcast %jit3A_225 : f32 to vector<256x4096xf32>
    %select_n3A_227 = arith.select %eq3A_224, %broadcast_in_dim3A_226, %select_n3A_211 : vector<256x4096xi1>, vector<256x4096xf32>
    %reduce_min3A_228 = arith.constant dense<0x7F800000> : vector<256xf32>
    %reduce_min3A_229 = vector.multi_reduction <minimumf>, %select_n3A_227, %reduce_min3A_228 [1] : vector<256x4096xf32> to vector<256xf32>
    %broadcast_in_dim3A_230 = vector.shape_cast %reduce_min3A_229 : vector<256xf32> to vector<256x1xf32>
    %eq3A_231 = vector.broadcast %broadcast_in_dim3A_230 : vector<256x1xf32> to vector<256x4096xf32>
    %eq3A_232 = arith.cmpf oeq, %select_n3A_227, %eq3A_231 : vector<256x4096xf32>
    %jit3A_233 = arith.constant 1073741824 : i32
    %broadcast_in_dim3A_234 = vector.broadcast %jit3A_233 : i32 to vector<256x4096xi32>
    %select_n3A_235 = arith.select %eq3A_232, %iota3A, %broadcast_in_dim3A_234 : vector<256x4096xi1>, vector<256x4096xi32>
    %reduce_min3A_236 = arith.constant dense<2147483647> : vector<256xi32>
    %reduce_min3A_237 = vector.multi_reduction <minsi>, %select_n3A_235, %reduce_min3A_236 [1] : vector<256x4096xi32> to vector<256xi32>
    %broadcast_in_dim3A_238 = vector.shape_cast %reduce_min3A_237 : vector<256xi32> to vector<256x1xi32>
    %eq3A_239 = vector.broadcast %broadcast_in_dim3A_238 : vector<256x1xi32> to vector<256x4096xi32>
    %eq3A_240 = arith.cmpi eq, %select_n3A_235, %eq3A_239 : vector<256x4096xi32>
    %jit3A_241 = arith.constant 3.000000e+38 : f32
    %broadcast_in_dim3A_242 = vector.broadcast %jit3A_241 : f32 to vector<256x4096xf32>
    %select_n3A_243 = arith.select %eq3A_240, %broadcast_in_dim3A_242, %select_n3A_227 : vector<256x4096xi1>, vector<256x4096xf32>
    %reduce_min3A_244 = arith.constant dense<0x7F800000> : vector<256xf32>
    %reduce_min3A_245 = vector.multi_reduction <minimumf>, %select_n3A_243, %reduce_min3A_244 [1] : vector<256x4096xf32> to vector<256xf32>
    %broadcast_in_dim3A_246 = vector.shape_cast %reduce_min3A_245 : vector<256xf32> to vector<256x1xf32>
    %eq3A_247 = vector.broadcast %broadcast_in_dim3A_246 : vector<256x1xf32> to vector<256x4096xf32>
    %eq3A_248 = arith.cmpf oeq, %select_n3A_243, %eq3A_247 : vector<256x4096xf32>
    %jit3A_249 = arith.constant 1073741824 : i32
    %broadcast_in_dim3A_250 = vector.broadcast %jit3A_249 : i32 to vector<256x4096xi32>
    %select_n3A_251 = arith.select %eq3A_248, %iota3A, %broadcast_in_dim3A_250 : vector<256x4096xi1>, vector<256x4096xi32>
    %reduce_min3A_252 = arith.constant dense<2147483647> : vector<256xi32>
    %reduce_min3A_253 = vector.multi_reduction <minsi>, %select_n3A_251, %reduce_min3A_252 [1] : vector<256x4096xi32> to vector<256xi32>
    %broadcast_in_dim3A_254 = vector.shape_cast %reduce_min3A_253 : vector<256xi32> to vector<256x1xi32>
    %eq3A_255 = vector.broadcast %broadcast_in_dim3A_254 : vector<256x1xi32> to vector<256x4096xi32>
    %eq3A_256 = arith.cmpi eq, %select_n3A_251, %eq3A_255 : vector<256x4096xi32>
    %jit3A_257 = arith.constant 3.000000e+38 : f32
    %broadcast_in_dim3A_258 = vector.broadcast %jit3A_257 : f32 to vector<256x4096xf32>
    %select_n3A_259 = arith.select %eq3A_256, %broadcast_in_dim3A_258, %select_n3A_243 : vector<256x4096xi1>, vector<256x4096xf32>
    %reduce_min3A_260 = arith.constant dense<0x7F800000> : vector<256xf32>
    %reduce_min3A_261 = vector.multi_reduction <minimumf>, %select_n3A_259, %reduce_min3A_260 [1] : vector<256x4096xf32> to vector<256xf32>
    %broadcast_in_dim3A_262 = vector.shape_cast %reduce_min3A_261 : vector<256xf32> to vector<256x1xf32>
    %eq3A_263 = vector.broadcast %broadcast_in_dim3A_262 : vector<256x1xf32> to vector<256x4096xf32>
    %eq3A_264 = arith.cmpf oeq, %select_n3A_259, %eq3A_263 : vector<256x4096xf32>
    %jit3A_265 = arith.constant 1073741824 : i32
    %broadcast_in_dim3A_266 = vector.broadcast %jit3A_265 : i32 to vector<256x4096xi32>
    %select_n3A_267 = arith.select %eq3A_264, %iota3A, %broadcast_in_dim3A_266 : vector<256x4096xi1>, vector<256x4096xi32>
    %reduce_min3A_268 = arith.constant dense<2147483647> : vector<256xi32>
    %reduce_min3A_269 = vector.multi_reduction <minsi>, %select_n3A_267, %reduce_min3A_268 [1] : vector<256x4096xi32> to vector<256xi32>
    %broadcast_in_dim3A_270 = vector.shape_cast %reduce_min3A_269 : vector<256xi32> to vector<256x1xi32>
    %eq3A_271 = vector.broadcast %broadcast_in_dim3A_270 : vector<256x1xi32> to vector<256x4096xi32>
    %eq3A_272 = arith.cmpi eq, %select_n3A_267, %eq3A_271 : vector<256x4096xi32>
    %jit3A_273 = arith.constant 3.000000e+38 : f32
    %broadcast_in_dim3A_274 = vector.broadcast %jit3A_273 : f32 to vector<256x4096xf32>
    %select_n3A_275 = arith.select %eq3A_272, %broadcast_in_dim3A_274, %select_n3A_259 : vector<256x4096xi1>, vector<256x4096xf32>
    %reduce_min3A_276 = arith.constant dense<0x7F800000> : vector<256xf32>
    %reduce_min3A_277 = vector.multi_reduction <minimumf>, %select_n3A_275, %reduce_min3A_276 [1] : vector<256x4096xf32> to vector<256xf32>
    %broadcast_in_dim3A_278 = vector.shape_cast %reduce_min3A_277 : vector<256xf32> to vector<256x1xf32>
    %eq3A_279 = vector.broadcast %broadcast_in_dim3A_278 : vector<256x1xf32> to vector<256x4096xf32>
    %eq3A_280 = arith.cmpf oeq, %select_n3A_275, %eq3A_279 : vector<256x4096xf32>
    %jit3A_281 = arith.constant 1073741824 : i32
    %broadcast_in_dim3A_282 = vector.broadcast %jit3A_281 : i32 to vector<256x4096xi32>
    %select_n3A_283 = arith.select %eq3A_280, %iota3A, %broadcast_in_dim3A_282 : vector<256x4096xi1>, vector<256x4096xi32>
    %reduce_min3A_284 = arith.constant dense<2147483647> : vector<256xi32>
    %reduce_min3A_285 = vector.multi_reduction <minsi>, %select_n3A_283, %reduce_min3A_284 [1] : vector<256x4096xi32> to vector<256xi32>
    %broadcast_in_dim3A_286 = vector.shape_cast %reduce_min3A_285 : vector<256xi32> to vector<256x1xi32>
    %concatenate3A = tpu.concatenate %broadcast_in_dim3A_46, %broadcast_in_dim3A_62, %broadcast_in_dim3A_78, %broadcast_in_dim3A_94, %broadcast_in_dim3A_110, %broadcast_in_dim3A_126, %broadcast_in_dim3A_142, %broadcast_in_dim3A_158, %broadcast_in_dim3A_174, %broadcast_in_dim3A_190, %broadcast_in_dim3A_206, %broadcast_in_dim3A_222, %broadcast_in_dim3A_238, %broadcast_in_dim3A_254, %broadcast_in_dim3A_270, %broadcast_in_dim3A_286 in 1 : vector<256x1xi32>, vector<256x1xi32>, vector<256x1xi32>, vector<256x1xi32>, vector<256x1xi32>, vector<256x1xi32>, vector<256x1xi32>, vector<256x1xi32>, vector<256x1xi32>, vector<256x1xi32>, vector<256x1xi32>, vector<256x1xi32>, vector<256x1xi32>, vector<256x1xi32>, vector<256x1xi32>, vector<256x1xi32> -> vector<256x16xi32>
    %mul3A_287 = arith.constant 4096 : i32
    %mul3A_288 = arith.muli %arg0, %mul3A_287 : i32
    %add3A_289 = vector.broadcast %mul3A_288 : i32 to vector<256x16xi32>
    %add3A_290 = arith.addi %concatenate3A, %add3A_289 : vector<256x16xi32>
    %swap3A = arith.constant 0 : index
    %swap3A_291 = arith.constant 0 : index
    %swap3A_292 = arith.constant 0 : index
    %swap3A_293 = vector.load %arg5[%swap3A, %swap3A_291, %swap3A_292] : memref<1x256x16xi32, #tpu.memory_space<vmem>>, vector<1x256x16xi32>
    %swap3A_294 = vector.shape_cast %swap3A_293 : vector<1x256x16xi32> to vector<256x16xi32>
    %swap3A_295 = vector.shape_cast %add3A_290 : vector<256x16xi32> to vector<1x256x16xi32>
    tpu.vector_store %arg5[%swap3A, %swap3A_291, %swap3A_292], %swap3A_295 {strides = array<i32>} : memref<1x256x16xi32, #tpu.memory_space<vmem>>, vector<1x256x16xi32>,
    return
  }
  func.func @transform_0(%arg0: i32, %arg1: i32) -> (i32, i32, i32) {
    %c0_i32 = arith.constant 0 : i32
    %c0_i32_0 = arith.constant 0 : i32
    return %arg0, %arg1, %c0_i32 : i32, i32, i32
  }
  func.func @transform_1(%arg0: i32, %arg1: i32) -> (i32, i32, i32) {
    %c0_i32 = arith.constant 0 : i32
    %c0_i32_0 = arith.constant 0 : i32
    %c0_i32_1 = arith.constant 0 : i32
    return %arg0, %c0_i32, %c0_i32_0 : i32, i32, i32
  }
  func.func @transform_2(%arg0: i32, %arg1: i32) -> (i32, i32, i32) {
    %c0_i32 = arith.constant 0 : i32
    %c0_i32_0 = arith.constant 0 : i32
    %c0_i32_1 = arith.constant 0 : i32
    return %arg0, %c0_i32, %c0_i32_0 : i32, i32, i32
  }
  func.func @transform_3(%arg0: i32, %arg1: i32) -> (i32, i32, i32) {
    %c0_i32 = arith.constant 0 : i32
    %c0_i32_0 = arith.constant 0 : i32
    return %arg0, %arg1, %c0_i32 : i32, i32, i32
  }
}

module attributes {stable_mosaic.version = 14 : i64} {
  func.func @_qkv_kernel(%arg0: i32, %arg1: i32, %arg2: memref<1x128x512xf32, #tpu.memory_space<vmem>>, %arg3: memref<128x128xf32, #tpu.memory_space<vmem>>, %arg4: memref<1x128xf32, #tpu.memory_space<vmem>>, %arg5: memref<128x128xf32, #tpu.memory_space<vmem>>, %arg6: memref<1x128xf32, #tpu.memory_space<vmem>>, %arg7: memref<128x128xf32, #tpu.memory_space<vmem>>, %arg8: memref<1x128xf32, #tpu.memory_space<vmem>>, %arg9: memref<1x512x128xf32, #tpu.memory_space<vmem>>, %arg10: memref<1x512x128xf32, #tpu.memory_space<vmem>>) attributes {dimension_semantics = [#tpu.dimension_semantics<arbitrary>, #tpu.dimension_semantics<arbitrary>], iteration_bounds = array<i64: 4, 8>, scalar_prefetch = 0 : i64, scratch_operands = 0 : i64, tpu.core_type = #tpu.core_type<tc>, window_params = [{transform_indices = @transform_0, window_bounds = array<i64: 1, 128, 512>}, {pipeline_mode = #tpu.pipeline_mode<synchronous>, transform_indices = @transform_1, window_bounds = array<i64: 128, 128>}, {pipeline_mode = #tpu.pipeline_mode<synchronous>, transform_indices = @transform_2, window_bounds = array<i64: 1, 128>}, {pipeline_mode = #tpu.pipeline_mode<synchronous>, transform_indices = @transform_3, window_bounds = array<i64: 128, 128>}, {pipeline_mode = #tpu.pipeline_mode<synchronous>, transform_indices = @transform_4, window_bounds = array<i64: 1, 128>}, {pipeline_mode = #tpu.pipeline_mode<synchronous>, transform_indices = @transform_5, window_bounds = array<i64: 128, 128>}, {pipeline_mode = #tpu.pipeline_mode<synchronous>, transform_indices = @transform_6, window_bounds = array<i64: 1, 128>}, {transform_indices = @transform_7, window_bounds = array<i64: 1, 512, 128>}, {transform_indices = @transform_8, window_bounds = array<i64: 1, 512, 128>}]} {
    %get3A = arith.constant 0 : index
    %get3A_0 = arith.constant 0 : index
    %get3A_1 = arith.constant 0 : index
    %get3A_2 = vector.load %arg2[%get3A, %get3A_0, %get3A_1] : memref<1x128x512xf32, #tpu.memory_space<vmem>>, vector<1x128x512xf32>
    %get3A_3 = vector.shape_cast %get3A_2 : vector<1x128x512xf32> to vector<128x512xf32>
    %get3A_4 = arith.constant 0 : index
    %get3A_5 = arith.constant 0 : index
    %get3A_6 = vector.load %arg3[%get3A_4, %get3A_5] : memref<128x128xf32, #tpu.memory_space<vmem>>, vector<128x128xf32>
    %dot_general3A = arith.constant dense<0.000000e+00> : vector<512x128xf32>
    %dot_general3A_7 = tpu.matmul %get3A_3, %get3A_6, %dot_general3A {dimension_numbers = #tpu.dot_dimension_numbers<[0], [1], [1], [0], [0, 1, 1, 0], [], []>, transpose_lhs_hint = false} : vector<128x512xf32>, vector<128x128xf32>, vector<512x128xf32> -> vector<512x128xf32>
    %get3A_8 = arith.constant 0 : index
    %get3A_9 = arith.constant 0 : index
    %get3A_10 = vector.load %arg4[%get3A_8, %get3A_9] : memref<1x128xf32, #tpu.memory_space<vmem>>, vector<1x128xf32>
    %add3A = vector.broadcast %get3A_10 : vector<1x128xf32> to vector<512x128xf32>
    %add3A_11 = arith.addf %dot_general3A_7, %add3A : vector<512x128xf32>
    %swap3A = arith.constant 0 : index
    %swap3A_12 = arith.constant 0 : index
    %swap3A_13 = arith.constant 0 : index
    %swap3A_14 = vector.load %arg9[%swap3A, %swap3A_12, %swap3A_13] : memref<1x512x128xf32, #tpu.memory_space<vmem>>, vector<1x512x128xf32>
    %swap3A_15 = vector.shape_cast %swap3A_14 : vector<1x512x128xf32> to vector<512x128xf32>
    %swap3A_16 = vector.shape_cast %add3A_11 : vector<512x128xf32> to vector<1x512x128xf32>
    tpu.vector_store %arg9[%swap3A, %swap3A_12, %swap3A_13], %swap3A_16 {strides = array<i32>} : memref<1x512x128xf32, #tpu.memory_space<vmem>>, vector<1x512x128xf32>,
    %get3A_17 = arith.constant 0 : index
    %get3A_18 = arith.constant 0 : index
    %get3A_19 = vector.load %arg5[%get3A_17, %get3A_18] : memref<128x128xf32, #tpu.memory_space<vmem>>, vector<128x128xf32>
    %dot_general3A_20 = arith.constant dense<0.000000e+00> : vector<512x128xf32>
    %dot_general3A_21 = tpu.matmul %get3A_3, %get3A_19, %dot_general3A_20 {dimension_numbers = #tpu.dot_dimension_numbers<[0], [1], [1], [0], [0, 1, 1, 0], [], []>, transpose_lhs_hint = false} : vector<128x512xf32>, vector<128x128xf32>, vector<512x128xf32> -> vector<512x128xf32>
    %get3A_22 = arith.constant 0 : index
    %get3A_23 = arith.constant 0 : index
    %get3A_24 = vector.load %arg6[%get3A_22, %get3A_23] : memref<1x128xf32, #tpu.memory_space<vmem>>, vector<1x128xf32>
    %add3A_25 = vector.broadcast %get3A_24 : vector<1x128xf32> to vector<512x128xf32>
    %add3A_26 = arith.addf %dot_general3A_21, %add3A_25 : vector<512x128xf32>
    %get3A_27 = arith.constant 0 : index
    %get3A_28 = arith.constant 0 : index
    %get3A_29 = vector.load %arg7[%get3A_27, %get3A_28] : memref<128x128xf32, #tpu.memory_space<vmem>>, vector<128x128xf32>
    %dot_general3A_30 = arith.constant dense<0.000000e+00> : vector<512x128xf32>
    %dot_general3A_31 = tpu.matmul %get3A_3, %get3A_29, %dot_general3A_30 {dimension_numbers = #tpu.dot_dimension_numbers<[0], [1], [1], [0], [0, 1, 1, 0], [], []>, transpose_lhs_hint = false} : vector<128x512xf32>, vector<128x128xf32>, vector<512x128xf32> -> vector<512x128xf32>
    %get3A_32 = arith.constant 0 : index
    %get3A_33 = arith.constant 0 : index
    %get3A_34 = vector.load %arg8[%get3A_32, %get3A_33] : memref<1x128xf32, #tpu.memory_space<vmem>>, vector<1x128xf32>
    %add3A_35 = vector.broadcast %get3A_34 : vector<1x128xf32> to vector<512x128xf32>
    %add3A_36 = arith.addf %dot_general3A_31, %add3A_35 : vector<512x128xf32>
    %convert_element_type3A = arith.truncf %add3A_26 : vector<512x128xf32> to vector<512x128xbf16>
    %convert_element_type3A_37 = arith.extf %convert_element_type3A : vector<512x128xbf16> to vector<512x128xf32>
    %bitcast_convert_type3A = tpu.bitcast %convert_element_type3A_37 : vector<512x128xf32> -> vector<512x128xi32>
    %convert_element_type3A_38 = arith.truncf %add3A_36 : vector<512x128xf32> to vector<512x128xbf16>
    %convert_element_type3A_39 = arith.extf %convert_element_type3A_38 : vector<512x128xbf16> to vector<512x128xf32>
    %bitcast_convert_type3A_40 = tpu.bitcast %convert_element_type3A_39 : vector<512x128xf32> -> vector<512x128xi32>
    %shift_right_logical3A = arith.constant 16 : i32
    %shift_right_logical3A_41 = vector.broadcast %shift_right_logical3A : i32 to vector<512x128xi32>
    %shift_right_logical3A_42 = arith.shrui %bitcast_convert_type3A_40, %shift_right_logical3A_41 : vector<512x128xi32>
    %or3A = arith.ori %bitcast_convert_type3A, %shift_right_logical3A_42 : vector<512x128xi32>
    %bitcast_convert_type3A_43 = tpu.bitcast %or3A : vector<512x128xi32> -> vector<512x128xf32>
    %swap3A_44 = arith.constant 0 : index
    %swap3A_45 = arith.constant 0 : index
    %swap3A_46 = arith.constant 0 : index
    %swap3A_47 = vector.load %arg10[%swap3A_44, %swap3A_45, %swap3A_46] : memref<1x512x128xf32, #tpu.memory_space<vmem>>, vector<1x512x128xf32>
    %swap3A_48 = vector.shape_cast %swap3A_47 : vector<1x512x128xf32> to vector<512x128xf32>
    %swap3A_49 = vector.shape_cast %bitcast_convert_type3A_43 : vector<512x128xf32> to vector<1x512x128xf32>
    tpu.vector_store %arg10[%swap3A_44, %swap3A_45, %swap3A_46], %swap3A_49 {strides = array<i32>} : memref<1x512x128xf32, #tpu.memory_space<vmem>>, vector<1x512x128xf32>,
    return
  }
  func.func @transform_0(%arg0: i32, %arg1: i32) -> (i32, i32, i32) {
    %c0_i32 = arith.constant 0 : i32
    %c0_i32_0 = arith.constant 0 : i32
    return %arg0, %c0_i32, %arg1 : i32, i32, i32
  }
  func.func @transform_1(%arg0: i32, %arg1: i32) -> (i32, i32) {
    %c0_i32 = arith.constant 0 : i32
    %c0_i32_0 = arith.constant 0 : i32
    %c0_i32_1 = arith.constant 0 : i32
    return %c0_i32, %c0_i32_0 : i32, i32
  }
  func.func @transform_2(%arg0: i32, %arg1: i32) -> (i32, i32) {
    %c0_i32 = arith.constant 0 : i32
    %c0_i32_0 = arith.constant 0 : i32
    %c0_i32_1 = arith.constant 0 : i32
    return %c0_i32, %c0_i32_0 : i32, i32
  }
  func.func @transform_3(%arg0: i32, %arg1: i32) -> (i32, i32) {
    %c0_i32 = arith.constant 0 : i32
    %c0_i32_0 = arith.constant 0 : i32
    %c0_i32_1 = arith.constant 0 : i32
    return %c0_i32, %c0_i32_0 : i32, i32
  }
  func.func @transform_4(%arg0: i32, %arg1: i32) -> (i32, i32) {
    %c0_i32 = arith.constant 0 : i32
    %c0_i32_0 = arith.constant 0 : i32
    %c0_i32_1 = arith.constant 0 : i32
    return %c0_i32, %c0_i32_0 : i32, i32
  }
  func.func @transform_5(%arg0: i32, %arg1: i32) -> (i32, i32) {
    %c0_i32 = arith.constant 0 : i32
    %c0_i32_0 = arith.constant 0 : i32
    %c0_i32_1 = arith.constant 0 : i32
    return %c0_i32, %c0_i32_0 : i32, i32
  }
  func.func @transform_6(%arg0: i32, %arg1: i32) -> (i32, i32) {
    %c0_i32 = arith.constant 0 : i32
    %c0_i32_0 = arith.constant 0 : i32
    %c0_i32_1 = arith.constant 0 : i32
    return %c0_i32, %c0_i32_0 : i32, i32
  }
  func.func @transform_7(%arg0: i32, %arg1: i32) -> (i32, i32, i32) {
    %c0_i32 = arith.constant 0 : i32
    %c0_i32_0 = arith.constant 0 : i32
    return %arg0, %arg1, %c0_i32 : i32, i32, i32
  }
  func.func @transform_8(%arg0: i32, %arg1: i32) -> (i32, i32, i32) {
    %c0_i32 = arith.constant 0 : i32
    %c0_i32_0 = arith.constant 0 : i32
    return %arg0, %arg1, %c0_i32 : i32, i32, i32
  }
}

module attributes {stable_mosaic.version = 14 : i64} {
  func.func @_p0_kernel(%arg0: i32, %arg1: memref<8192x128xf32, #tpu.memory_space<vmem>>, %arg2: memref<512x16xf32, #tpu.memory_space<vmem>>, %arg3: memref<1x16xf32, #tpu.memory_space<vmem>>, %arg4: memref<16x16xf32, #tpu.memory_space<vmem>>, %arg5: memref<8192x16xf32, #tpu.memory_space<vmem>>) attributes {dimension_semantics = [#tpu.dimension_semantics<arbitrary>], iteration_bounds = array<i64: 32>, scalar_prefetch = 0 : i64, scratch_operands = 0 : i64, tpu.core_type = #tpu.core_type<tc>, window_params = [{transform_indices = @transform_0, window_bounds = array<i64: 8192, 128>}, {transform_indices = @transform_1, window_bounds = array<i64: 512, 16>}, {pipeline_mode = #tpu.pipeline_mode<synchronous>, transform_indices = @transform_2, window_bounds = array<i64: 1, 16>}, {pipeline_mode = #tpu.pipeline_mode<synchronous>, transform_indices = @transform_3, window_bounds = array<i64: 16, 16>}, {transform_indices = @transform_4, window_bounds = array<i64: 8192, 16>}]} {
    %get3A = arith.constant 0 : index
    %get3A_0 = arith.constant 0 : index
    %get3A_1 = vector.load %arg1[%get3A, %get3A_0] : memref<8192x128xf32, #tpu.memory_space<vmem>>, vector<8192x16xf32>
    %get3A_2 = arith.constant 0 : index
    %get3A_3 = arith.constant 0 : index
    %get3A_4 = vector.load %arg2[%get3A_2, %get3A_3] : memref<512x16xf32, #tpu.memory_space<vmem>>, vector<512x16xf32>
    %reshape3A = vector.shape_cast %get3A_4 : vector<512x16xf32> to vector<512x1x16xf32>
    %broadcast_in_dim3A = vector.shape_cast %reshape3A : vector<512x1x16xf32> to vector<512x1x16xf32>
    %broadcast_in_dim3A_5 = vector.broadcast %broadcast_in_dim3A : vector<512x1x16xf32> to vector<512x16x16xf32>
    %reshape3A_6 = vector.shape_cast %broadcast_in_dim3A_5 : vector<512x16x16xf32> to vector<8192x16xf32>
    %sub3A = arith.subf %get3A_1, %reshape3A_6 : vector<8192x16xf32>
    %swap3A = arith.constant 0 : index
    %swap3A_7 = arith.constant 0 : index
    %swap3A_8 = vector.load %arg5[%swap3A, %swap3A_7] : memref<8192x16xf32, #tpu.memory_space<vmem>>, vector<8192x16xf32>
    tpu.vector_store %arg5[%swap3A, %swap3A_7], %sub3A {strides = array<i32>} : memref<8192x16xf32, #tpu.memory_space<vmem>>, vector<8192x16xf32>,
    %eq3A = arith.constant 0 : i32
    %eq3A_9 = arith.cmpi eq, %arg0, %eq3A : i32
    %convert_element_type3A = arith.extui %eq3A_9 : i1 to i32
    %cond3A = arith.constant 0 : i32
    %cond3A_10 = arith.cmpi ne, %convert_element_type3A, %cond3A : i32
    scf.if %cond3A_10 {
      %broadcast_in_dim3A_27 = arith.constant 0.000000e+00 : f32
      %broadcast_in_dim3A_28 = vector.broadcast %broadcast_in_dim3A_27 : f32 to vector<1x16xf32>
      %swap3A_29 = arith.constant 0 : index
      %swap3A_30 = arith.constant 0 : index
      %swap3A_31 = vector.load %arg3[%swap3A_29, %swap3A_30] : memref<1x16xf32, #tpu.memory_space<vmem>>, vector<1x16xf32>
      tpu.vector_store %arg3[%swap3A_29, %swap3A_30], %broadcast_in_dim3A_28 {strides = array<i32>} : memref<1x16xf32, #tpu.memory_space<vmem>>, vector<1x16xf32>,
      %broadcast_in_dim3A_32 = arith.constant 0.000000e+00 : f32
      %broadcast_in_dim3A_33 = vector.broadcast %broadcast_in_dim3A_32 : f32 to vector<16x16xf32>
      %swap3A_34 = arith.constant 0 : index
      %swap3A_35 = arith.constant 0 : index
      %swap3A_36 = vector.load %arg4[%swap3A_34, %swap3A_35] : memref<16x16xf32, #tpu.memory_space<vmem>>, vector<16x16xf32>
      tpu.vector_store %arg4[%swap3A_34, %swap3A_35], %broadcast_in_dim3A_33 {strides = array<i32>} : memref<16x16xf32, #tpu.memory_space<vmem>>, vector<16x16xf32>,
    } else {
    }
    %get3A_11 = arith.constant 0 : index
    %get3A_12 = arith.constant 0 : index
    %get3A_13 = vector.load %arg3[%get3A_11, %get3A_12] : memref<1x16xf32, #tpu.memory_space<vmem>>, vector<1x16xf32>
    %reduce_sum3A = arith.constant dense<0.000000e+00> : vector<16xf32>
    %reduce_sum3A_14 = vector.multi_reduction <add>, %sub3A, %reduce_sum3A [0] : vector<8192x16xf32> to vector<16xf32>
    %broadcast_in_dim3A_15 = vector.shape_cast %reduce_sum3A_14 : vector<16xf32> to vector<1x16xf32>
    %add3A = arith.addf %get3A_13, %broadcast_in_dim3A_15 : vector<1x16xf32>
    %swap3A_16 = arith.constant 0 : index
    %swap3A_17 = arith.constant 0 : index
    %swap3A_18 = vector.load %arg3[%swap3A_16, %swap3A_17] : memref<1x16xf32, #tpu.memory_space<vmem>>, vector<1x16xf32>
    tpu.vector_store %arg3[%swap3A_16, %swap3A_17], %add3A {strides = array<i32>} : memref<1x16xf32, #tpu.memory_space<vmem>>, vector<1x16xf32>,
    %get3A_19 = arith.constant 0 : index
    %get3A_20 = arith.constant 0 : index
    %get3A_21 = vector.load %arg4[%get3A_19, %get3A_20] : memref<16x16xf32, #tpu.memory_space<vmem>>, vector<16x16xf32>
    %dot_general3A = arith.constant dense<0.000000e+00> : vector<16x16xf32>
    %dot_general3A_22 = tpu.matmul %sub3A, %sub3A, %dot_general3A {dimension_numbers = #tpu.dot_dimension_numbers<[0], [0], [1], [1], [0, 1, 1, 1], [], []>, transpose_lhs_hint = false} : vector<8192x16xf32>, vector<8192x16xf32>, vector<16x16xf32> -> vector<16x16xf32>
    %add3A_23 = arith.addf %get3A_21, %dot_general3A_22 : vector<16x16xf32>
    %swap3A_24 = arith.constant 0 : index
    %swap3A_25 = arith.constant 0 : index
    %swap3A_26 = vector.load %arg4[%swap3A_24, %swap3A_25] : memref<16x16xf32, #tpu.memory_space<vmem>>, vector<16x16xf32>
    tpu.vector_store %arg4[%swap3A_24, %swap3A_25], %add3A_23 {strides = array<i32>} : memref<16x16xf32, #tpu.memory_space<vmem>>, vector<16x16xf32>,
    return
  }
  func.func @transform_0(%arg0: i32) -> (i32, i32) {
    %c0_i32 = arith.constant 0 : i32
    %c0_i32_0 = arith.constant 0 : i32
    return %arg0, %c0_i32 : i32, i32
  }
  func.func @transform_1(%arg0: i32) -> (i32, i32) {
    %c0_i32 = arith.constant 0 : i32
    %c0_i32_0 = arith.constant 0 : i32
    return %arg0, %c0_i32 : i32, i32
  }
  func.func @transform_2(%arg0: i32) -> (i32, i32) {
    %c0_i32 = arith.constant 0 : i32
    %c0_i32_0 = arith.constant 0 : i32
    %c0_i32_1 = arith.constant 0 : i32
    return %c0_i32, %c0_i32_0 : i32, i32
  }
  func.func @transform_3(%arg0: i32) -> (i32, i32) {
    %c0_i32 = arith.constant 0 : i32
    %c0_i32_0 = arith.constant 0 : i32
    %c0_i32_1 = arith.constant 0 : i32
    return %c0_i32, %c0_i32_0 : i32, i32
  }
  func.func @transform_4(%arg0: i32) -> (i32, i32) {
    %c0_i32 = arith.constant 0 : i32
    %c0_i32_0 = arith.constant 0 : i32
    return %arg0, %c0_i32 : i32, i32
  }
}

module attributes {stable_mosaic.version = 14 : i64} {
  func.func @_p1_kernel(%arg0: i32, %arg1: memref<8192x128xf32, #tpu.memory_space<vmem>>, %arg2: memref<8192x16xf32, #tpu.memory_space<vmem>>, %arg3: memref<512x128xf32, #tpu.memory_space<vmem>>, %arg4: memref<16x16xf32, #tpu.memory_space<vmem>>, %arg5: memref<1x16xf32, #tpu.memory_space<vmem>>, %arg6: memref<1x16xf32, #tpu.memory_space<vmem>>, %arg7: memref<16x128xf32, #tpu.memory_space<vmem>>, %arg8: memref<1x128xf32, #tpu.memory_space<vmem>>, %arg9: memref<1x128xf32, #tpu.memory_space<vmem>>, %arg10: memref<1x128xf32, #tpu.memory_space<vmem>>) attributes {dimension_semantics = [#tpu.dimension_semantics<arbitrary>], iteration_bounds = array<i64: 32>, scalar_prefetch = 0 : i64, scratch_operands = 0 : i64, tpu.core_type = #tpu.core_type<tc>, window_params = [{transform_indices = @transform_0, window_bounds = array<i64: 8192, 128>}, {transform_indices = @transform_1, window_bounds = array<i64: 8192, 16>}, {transform_indices = @transform_2, window_bounds = array<i64: 512, 128>}, {pipeline_mode = #tpu.pipeline_mode<synchronous>, transform_indices = @transform_3, window_bounds = array<i64: 16, 16>}, {pipeline_mode = #tpu.pipeline_mode<synchronous>, transform_indices = @transform_4, window_bounds = array<i64: 1, 16>}, {pipeline_mode = #tpu.pipeline_mode<synchronous>, transform_indices = @transform_5, window_bounds = array<i64: 1, 16>}, {pipeline_mode = #tpu.pipeline_mode<synchronous>, transform_indices = @transform_6, window_bounds = array<i64: 16, 128>}, {pipeline_mode = #tpu.pipeline_mode<synchronous>, transform_indices = @transform_7, window_bounds = array<i64: 1, 128>}, {pipeline_mode = #tpu.pipeline_mode<synchronous>, transform_indices = @transform_8, window_bounds = array<i64: 1, 128>}, {pipeline_mode = #tpu.pipeline_mode<synchronous>, transform_indices = @transform_9, window_bounds = array<i64: 1, 128>}]} {
    %get3A = arith.constant 0 : index
    %get3A_0 = arith.constant 0 : index
    %get3A_1 = vector.load %arg2[%get3A, %get3A_0] : memref<8192x16xf32, #tpu.memory_space<vmem>>, vector<8192x16xf32>
    %get3A_2 = arith.constant 0 : index
    %get3A_3 = arith.constant 0 : index
    %get3A_4 = vector.load %arg4[%get3A_2, %get3A_3] : memref<16x16xf32, #tpu.memory_space<vmem>>, vector<16x16xf32>
    %get3A_5 = arith.constant 0 : index
    %get3A_6 = arith.constant 0 : index
    %get3A_7 = vector.load %arg5[%get3A_5, %get3A_6] : memref<1x16xf32, #tpu.memory_space<vmem>>, vector<1x16xf32>
    %get3A_8 = arith.constant 0 : index
    %get3A_9 = arith.constant 0 : index
    %get3A_10 = vector.load %arg6[%get3A_8, %get3A_9] : memref<1x16xf32, #tpu.memory_space<vmem>>, vector<1x16xf32>
    %get3A_11 = arith.constant 0 : index
    %get3A_12 = arith.constant 0 : index
    %get3A_13 = vector.load %arg7[%get3A_11, %get3A_12] : memref<16x128xf32, #tpu.memory_space<vmem>>, vector<16x128xf32>
    %get3A_14 = arith.constant 0 : index
    %get3A_15 = arith.constant 0 : index
    %get3A_16 = vector.load %arg8[%get3A_14, %get3A_15] : memref<1x128xf32, #tpu.memory_space<vmem>>, vector<1x128xf32>
    %dot_general3A = arith.constant dense<0.000000e+00> : vector<8192x16xf32>
    %dot_general3A_17 = tpu.matmul %get3A_1, %get3A_4, %dot_general3A {dimension_numbers = #tpu.dot_dimension_numbers<[1], [1], [0], [0], [0, 0, 1, 0], [], []>, transpose_lhs_hint = false} : vector<8192x16xf32>, vector<16x16xf32>, vector<8192x16xf32> -> vector<8192x16xf32>
    %mul3A = vector.broadcast %get3A_7 : vector<1x16xf32> to vector<8192x16xf32>
    %mul3A_18 = arith.mulf %dot_general3A_17, %mul3A : vector<8192x16xf32>
    %add3A = vector.broadcast %get3A_10 : vector<1x16xf32> to vector<8192x16xf32>
    %add3A_19 = arith.addf %mul3A_18, %add3A : vector<8192x16xf32>
    %max3A = arith.constant 0.000000e+00 : f32
    %max3A_20 = vector.broadcast %max3A : f32 to vector<8192x16xf32>
    %max3A_21 = arith.maximumf %add3A_19, %max3A_20 : vector<8192x16xf32>
    %dot_general3A_22 = arith.constant dense<0.000000e+00> : vector<8192x128xf32>
    %dot_general3A_23 = tpu.matmul %max3A_21, %get3A_13, %dot_general3A_22 {dimension_numbers = #tpu.dot_dimension_numbers<[1], [0], [0], [1], [0, 0, 1, 1], [], []>, transpose_lhs_hint = false} : vector<8192x16xf32>, vector<16x128xf32>, vector<8192x128xf32> -> vector<8192x128xf32>
    %add3A_24 = vector.broadcast %get3A_16 : vector<1x128xf32> to vector<8192x128xf32>
    %add3A_25 = arith.addf %dot_general3A_23, %add3A_24 : vector<8192x128xf32>
    %get3A_26 = arith.constant 0 : index
    %get3A_27 = arith.constant 0 : index
    %get3A_28 = vector.load %arg3[%get3A_26, %get3A_27] : memref<512x128xf32, #tpu.memory_space<vmem>>, vector<512x128xf32>
    %reshape3A = vector.shape_cast %get3A_28 : vector<512x128xf32> to vector<512x1x128xf32>
    %broadcast_in_dim3A = vector.shape_cast %reshape3A : vector<512x1x128xf32> to vector<512x1x128xf32>
    %broadcast_in_dim3A_29 = vector.broadcast %broadcast_in_dim3A : vector<512x1x128xf32> to vector<512x16x128xf32>
    %reshape3A_30 = vector.shape_cast %broadcast_in_dim3A_29 : vector<512x16x128xf32> to vector<8192x128xf32>
    %get3A_31 = arith.constant 0 : index
    %get3A_32 = arith.constant 0 : index
    %get3A_33 = vector.load %arg1[%get3A_31, %get3A_32] : memref<8192x128xf32, #tpu.memory_space<vmem>>, vector<8192x128xf32>
    %bitcast_convert_type3A = tpu.bitcast %get3A_33 : vector<8192x128xf32> -> vector<8192x128xi32>
    %and3A = arith.constant -65536 : i32
    %and3A_34 = vector.broadcast %and3A : i32 to vector<8192x128xi32>
    %and3A_35 = arith.andi %bitcast_convert_type3A, %and3A_34 : vector<8192x128xi32>
    %bitcast_convert_type3A_36 = tpu.bitcast %and3A_35 : vector<8192x128xi32> -> vector<8192x128xf32>
    %sub3A = arith.subf %reshape3A_30, %bitcast_convert_type3A_36 : vector<8192x128xf32>
    %add3A_37 = arith.addf %sub3A, %add3A_25 : vector<8192x128xf32>
    %eq3A = arith.constant 0 : i32
    %eq3A_38 = arith.cmpi eq, %arg0, %eq3A : i32
    %convert_element_type3A = arith.extui %eq3A_38 : i1 to i32
    %cond3A = arith.constant 0 : i32
    %cond3A_39 = arith.cmpi ne, %convert_element_type3A, %cond3A : i32
    scf.if %cond3A_39 {
      %broadcast_in_dim3A_59 = arith.constant 0.000000e+00 : f32
      %broadcast_in_dim3A_60 = vector.broadcast %broadcast_in_dim3A_59 : f32 to vector<1x128xf32>
      %swap3A_61 = arith.constant 0 : index
      %swap3A_62 = arith.constant 0 : index
      %swap3A_63 = vector.load %arg9[%swap3A_61, %swap3A_62] : memref<1x128xf32, #tpu.memory_space<vmem>>, vector<1x128xf32>
      tpu.vector_store %arg9[%swap3A_61, %swap3A_62], %broadcast_in_dim3A_60 {strides = array<i32>} : memref<1x128xf32, #tpu.memory_space<vmem>>, vector<1x128xf32>,
      %broadcast_in_dim3A_64 = arith.constant 0.000000e+00 : f32
      %broadcast_in_dim3A_65 = vector.broadcast %broadcast_in_dim3A_64 : f32 to vector<1x128xf32>
      %swap3A_66 = arith.constant 0 : index
      %swap3A_67 = arith.constant 0 : index
      %swap3A_68 = vector.load %arg10[%swap3A_66, %swap3A_67] : memref<1x128xf32, #tpu.memory_space<vmem>>, vector<1x128xf32>
      tpu.vector_store %arg10[%swap3A_66, %swap3A_67], %broadcast_in_dim3A_65 {strides = array<i32>} : memref<1x128xf32, #tpu.memory_space<vmem>>, vector<1x128xf32>,
    } else {
    }
    %get3A_40 = arith.constant 0 : index
    %get3A_41 = arith.constant 0 : index
    %get3A_42 = vector.load %arg9[%get3A_40, %get3A_41] : memref<1x128xf32, #tpu.memory_space<vmem>>, vector<1x128xf32>
    %reduce_sum3A = arith.constant dense<0.000000e+00> : vector<128xf32>
    %reduce_sum3A_43 = vector.multi_reduction <add>, %add3A_37, %reduce_sum3A [0] : vector<8192x128xf32> to vector<128xf32>
    %broadcast_in_dim3A_44 = vector.shape_cast %reduce_sum3A_43 : vector<128xf32> to vector<1x128xf32>
    %add3A_45 = arith.addf %get3A_42, %broadcast_in_dim3A_44 : vector<1x128xf32>
    %swap3A = arith.constant 0 : index
    %swap3A_46 = arith.constant 0 : index
    %swap3A_47 = vector.load %arg9[%swap3A, %swap3A_46] : memref<1x128xf32, #tpu.memory_space<vmem>>, vector<1x128xf32>
    tpu.vector_store %arg9[%swap3A, %swap3A_46], %add3A_45 {strides = array<i32>} : memref<1x128xf32, #tpu.memory_space<vmem>>, vector<1x128xf32>,
    %get3A_48 = arith.constant 0 : index
    %get3A_49 = arith.constant 0 : index
    %get3A_50 = vector.load %arg10[%get3A_48, %get3A_49] : memref<1x128xf32, #tpu.memory_space<vmem>>, vector<1x128xf32>
    %mul3A_51 = arith.mulf %add3A_37, %add3A_37 : vector<8192x128xf32>
    %reduce_sum3A_52 = arith.constant dense<0.000000e+00> : vector<128xf32>
    %reduce_sum3A_53 = vector.multi_reduction <add>, %mul3A_51, %reduce_sum3A_52 [0] : vector<8192x128xf32> to vector<128xf32>
    %broadcast_in_dim3A_54 = vector.shape_cast %reduce_sum3A_53 : vector<128xf32> to vector<1x128xf32>
    %add3A_55 = arith.addf %get3A_50, %broadcast_in_dim3A_54 : vector<1x128xf32>
    %swap3A_56 = arith.constant 0 : index
    %swap3A_57 = arith.constant 0 : index
    %swap3A_58 = vector.load %arg10[%swap3A_56, %swap3A_57] : memref<1x128xf32, #tpu.memory_space<vmem>>, vector<1x128xf32>
    tpu.vector_store %arg10[%swap3A_56, %swap3A_57], %add3A_55 {strides = array<i32>} : memref<1x128xf32, #tpu.memory_space<vmem>>, vector<1x128xf32>,
    return
  }
  func.func @transform_0(%arg0: i32) -> (i32, i32) {
    %c0_i32 = arith.constant 0 : i32
    %c0_i32_0 = arith.constant 0 : i32
    return %arg0, %c0_i32 : i32, i32
  }
  func.func @transform_1(%arg0: i32) -> (i32, i32) {
    %c0_i32 = arith.constant 0 : i32
    %c0_i32_0 = arith.constant 0 : i32
    return %arg0, %c0_i32 : i32, i32
  }
  func.func @transform_2(%arg0: i32) -> (i32, i32) {
    %c0_i32 = arith.constant 0 : i32
    %c0_i32_0 = arith.constant 0 : i32
    return %arg0, %c0_i32 : i32, i32
  }
  func.func @transform_3(%arg0: i32) -> (i32, i32) {
    %c0_i32 = arith.constant 0 : i32
    %c0_i32_0 = arith.constant 0 : i32
    %c0_i32_1 = arith.constant 0 : i32
    return %c0_i32, %c0_i32_0 : i32, i32
  }
  func.func @transform_4(%arg0: i32) -> (i32, i32) {
    %c0_i32 = arith.constant 0 : i32
    %c0_i32_0 = arith.constant 0 : i32
    %c0_i32_1 = arith.constant 0 : i32
    return %c0_i32, %c0_i32_0 : i32, i32
  }
  func.func @transform_5(%arg0: i32) -> (i32, i32) {
    %c0_i32 = arith.constant 0 : i32
    %c0_i32_0 = arith.constant 0 : i32
    %c0_i32_1 = arith.constant 0 : i32
    return %c0_i32, %c0_i32_0 : i32, i32
  }
  func.func @transform_6(%arg0: i32) -> (i32, i32) {
    %c0_i32 = arith.constant 0 : i32
    %c0_i32_0 = arith.constant 0 : i32
    %c0_i32_1 = arith.constant 0 : i32
    return %c0_i32, %c0_i32_0 : i32, i32
  }
  func.func @transform_7(%arg0: i32) -> (i32, i32) {
    %c0_i32 = arith.constant 0 : i32
    %c0_i32_0 = arith.constant 0 : i32
    %c0_i32_1 = arith.constant 0 : i32
    return %c0_i32, %c0_i32_0 : i32, i32
  }
  func.func @transform_8(%arg0: i32) -> (i32, i32) {
    %c0_i32 = arith.constant 0 : i32
    %c0_i32_0 = arith.constant 0 : i32
    %c0_i32_1 = arith.constant 0 : i32
    return %c0_i32, %c0_i32_0 : i32, i32
  }
  func.func @transform_9(%arg0: i32) -> (i32, i32) {
    %c0_i32 = arith.constant 0 : i32
    %c0_i32_0 = arith.constant 0 : i32
    %c0_i32_1 = arith.constant 0 : i32
    return %c0_i32, %c0_i32_0 : i32, i32
  }
}

module attributes {stable_mosaic.version = 14 : i64} {
  func.func @_p2_kernel(%arg0: i32, %arg1: memref<8192x128xf32, #tpu.memory_space<vmem>>, %arg2: memref<8192x16xf32, #tpu.memory_space<vmem>>, %arg3: memref<512x128xf32, #tpu.memory_space<vmem>>, %arg4: memref<16x16xf32, #tpu.memory_space<vmem>>, %arg5: memref<1x16xf32, #tpu.memory_space<vmem>>, %arg6: memref<1x16xf32, #tpu.memory_space<vmem>>, %arg7: memref<16x128xf32, #tpu.memory_space<vmem>>, %arg8: memref<1x128xf32, #tpu.memory_space<vmem>>, %arg9: memref<1x128xf32, #tpu.memory_space<vmem>>, %arg10: memref<1x128xf32, #tpu.memory_space<vmem>>, %arg11: memref<16x128xf32, #tpu.memory_space<vmem>>, %arg12: memref<1x16xf32, #tpu.memory_space<vmem>>, %arg13: memref<1x16xf32, #tpu.memory_space<vmem>>) attributes {dimension_semantics = [#tpu.dimension_semantics<arbitrary>], iteration_bounds = array<i64: 32>, scalar_prefetch = 0 : i64, scratch_operands = 0 : i64, tpu.core_type = #tpu.core_type<tc>, window_params = [{transform_indices = @transform_0, window_bounds = array<i64: 8192, 128>}, {transform_indices = @transform_1, window_bounds = array<i64: 8192, 16>}, {transform_indices = @transform_2, window_bounds = array<i64: 512, 128>}, {pipeline_mode = #tpu.pipeline_mode<synchronous>, transform_indices = @transform_3, window_bounds = array<i64: 16, 16>}, {pipeline_mode = #tpu.pipeline_mode<synchronous>, transform_indices = @transform_4, window_bounds = array<i64: 1, 16>}, {pipeline_mode = #tpu.pipeline_mode<synchronous>, transform_indices = @transform_5, window_bounds = array<i64: 1, 16>}, {pipeline_mode = #tpu.pipeline_mode<synchronous>, transform_indices = @transform_6, window_bounds = array<i64: 16, 128>}, {pipeline_mode = #tpu.pipeline_mode<synchronous>, transform_indices = @transform_7, window_bounds = array<i64: 1, 128>}, {pipeline_mode = #tpu.pipeline_mode<synchronous>, transform_indices = @transform_8, window_bounds = array<i64: 1, 128>}, {pipeline_mode = #tpu.pipeline_mode<synchronous>, transform_indices = @transform_9, window_bounds = array<i64: 1, 128>}, {pipeline_mode = #tpu.pipeline_mode<synchronous>, transform_indices = @transform_10, window_bounds = array<i64: 16, 128>}, {pipeline_mode = #tpu.pipeline_mode<synchronous>, transform_indices = @transform_11, window_bounds = array<i64: 1, 16>}, {pipeline_mode = #tpu.pipeline_mode<synchronous>, transform_indices = @transform_12, window_bounds = array<i64: 1, 16>}]} {
    %get3A = arith.constant 0 : index
    %get3A_0 = arith.constant 0 : index
    %get3A_1 = vector.load %arg2[%get3A, %get3A_0] : memref<8192x16xf32, #tpu.memory_space<vmem>>, vector<8192x16xf32>
    %get3A_2 = arith.constant 0 : index
    %get3A_3 = arith.constant 0 : index
    %get3A_4 = vector.load %arg4[%get3A_2, %get3A_3] : memref<16x16xf32, #tpu.memory_space<vmem>>, vector<16x16xf32>
    %get3A_5 = arith.constant 0 : index
    %get3A_6 = arith.constant 0 : index
    %get3A_7 = vector.load %arg5[%get3A_5, %get3A_6] : memref<1x16xf32, #tpu.memory_space<vmem>>, vector<1x16xf32>
    %get3A_8 = arith.constant 0 : index
    %get3A_9 = arith.constant 0 : index
    %get3A_10 = vector.load %arg6[%get3A_8, %get3A_9] : memref<1x16xf32, #tpu.memory_space<vmem>>, vector<1x16xf32>
    %get3A_11 = arith.constant 0 : index
    %get3A_12 = arith.constant 0 : index
    %get3A_13 = vector.load %arg7[%get3A_11, %get3A_12] : memref<16x128xf32, #tpu.memory_space<vmem>>, vector<16x128xf32>
    %get3A_14 = arith.constant 0 : index
    %get3A_15 = arith.constant 0 : index
    %get3A_16 = vector.load %arg8[%get3A_14, %get3A_15] : memref<1x128xf32, #tpu.memory_space<vmem>>, vector<1x128xf32>
    %dot_general3A = arith.constant dense<0.000000e+00> : vector<8192x16xf32>
    %dot_general3A_17 = tpu.matmul %get3A_1, %get3A_4, %dot_general3A {dimension_numbers = #tpu.dot_dimension_numbers<[1], [1], [0], [0], [0, 0, 1, 0], [], []>, transpose_lhs_hint = false} : vector<8192x16xf32>, vector<16x16xf32>, vector<8192x16xf32> -> vector<8192x16xf32>
    %mul3A = vector.broadcast %get3A_7 : vector<1x16xf32> to vector<8192x16xf32>
    %mul3A_18 = arith.mulf %dot_general3A_17, %mul3A : vector<8192x16xf32>
    %add3A = vector.broadcast %get3A_10 : vector<1x16xf32> to vector<8192x16xf32>
    %add3A_19 = arith.addf %mul3A_18, %add3A : vector<8192x16xf32>
    %max3A = arith.constant 0.000000e+00 : f32
    %max3A_20 = vector.broadcast %max3A : f32 to vector<8192x16xf32>
    %max3A_21 = arith.maximumf %add3A_19, %max3A_20 : vector<8192x16xf32>
    %dot_general3A_22 = arith.constant dense<0.000000e+00> : vector<8192x128xf32>
    %dot_general3A_23 = tpu.matmul %max3A_21, %get3A_13, %dot_general3A_22 {dimension_numbers = #tpu.dot_dimension_numbers<[1], [0], [0], [1], [0, 0, 1, 1], [], []>, transpose_lhs_hint = false} : vector<8192x16xf32>, vector<16x128xf32>, vector<8192x128xf32> -> vector<8192x128xf32>
    %add3A_24 = vector.broadcast %get3A_16 : vector<1x128xf32> to vector<8192x128xf32>
    %add3A_25 = arith.addf %dot_general3A_23, %add3A_24 : vector<8192x128xf32>
    %get3A_26 = arith.constant 0 : index
    %get3A_27 = arith.constant 0 : index
    %get3A_28 = vector.load %arg3[%get3A_26, %get3A_27] : memref<512x128xf32, #tpu.memory_space<vmem>>, vector<512x128xf32>
    %reshape3A = vector.shape_cast %get3A_28 : vector<512x128xf32> to vector<512x1x128xf32>
    %broadcast_in_dim3A = vector.shape_cast %reshape3A : vector<512x1x128xf32> to vector<512x1x128xf32>
    %broadcast_in_dim3A_29 = vector.broadcast %broadcast_in_dim3A : vector<512x1x128xf32> to vector<512x16x128xf32>
    %reshape3A_30 = vector.shape_cast %broadcast_in_dim3A_29 : vector<512x16x128xf32> to vector<8192x128xf32>
    %get3A_31 = arith.constant 0 : index
    %get3A_32 = arith.constant 0 : index
    %get3A_33 = vector.load %arg1[%get3A_31, %get3A_32] : memref<8192x128xf32, #tpu.memory_space<vmem>>, vector<8192x128xf32>
    %bitcast_convert_type3A = tpu.bitcast %get3A_33 : vector<8192x128xf32> -> vector<8192x128xi32>
    %and3A = arith.constant -65536 : i32
    %and3A_34 = vector.broadcast %and3A : i32 to vector<8192x128xi32>
    %and3A_35 = arith.andi %bitcast_convert_type3A, %and3A_34 : vector<8192x128xi32>
    %bitcast_convert_type3A_36 = tpu.bitcast %and3A_35 : vector<8192x128xi32> -> vector<8192x128xf32>
    %sub3A = arith.subf %reshape3A_30, %bitcast_convert_type3A_36 : vector<8192x128xf32>
    %add3A_37 = arith.addf %sub3A, %add3A_25 : vector<8192x128xf32>
    %get3A_38 = arith.constant 0 : index
    %get3A_39 = arith.constant 0 : index
    %get3A_40 = vector.load %arg9[%get3A_38, %get3A_39] : memref<1x128xf32, #tpu.memory_space<vmem>>, vector<1x128xf32>
    %mul3A_41 = vector.broadcast %get3A_40 : vector<1x128xf32> to vector<8192x128xf32>
    %mul3A_42 = arith.mulf %add3A_37, %mul3A_41 : vector<8192x128xf32>
    %get3A_43 = arith.constant 0 : index
    %get3A_44 = arith.constant 0 : index
    %get3A_45 = vector.load %arg10[%get3A_43, %get3A_44] : memref<1x128xf32, #tpu.memory_space<vmem>>, vector<1x128xf32>
    %add3A_46 = vector.broadcast %get3A_45 : vector<1x128xf32> to vector<8192x128xf32>
    %add3A_47 = arith.addf %mul3A_42, %add3A_46 : vector<8192x128xf32>
    %max3A_48 = arith.constant 0.000000e+00 : f32
    %max3A_49 = vector.broadcast %max3A_48 : f32 to vector<8192x128xf32>
    %max3A_50 = arith.maximumf %add3A_47, %max3A_49 : vector<8192x128xf32>
    %get3A_51 = arith.constant 0 : index
    %get3A_52 = arith.constant 0 : index
    %get3A_53 = vector.load %arg11[%get3A_51, %get3A_52] : memref<16x128xf32, #tpu.memory_space<vmem>>, vector<16x128xf32>
    %dot_general3A_54 = arith.constant dense<0.000000e+00> : vector<8192x16xf32>
    %dot_general3A_55 = tpu.matmul %max3A_50, %get3A_53, %dot_general3A_54 {dimension_numbers = #tpu.dot_dimension_numbers<[1], [1], [0], [0], [0, 0, 1, 0], [], []>, transpose_lhs_hint = false} : vector<8192x128xf32>, vector<16x128xf32>, vector<8192x16xf32> -> vector<8192x16xf32>
    %eq3A = arith.constant 0 : i32
    %eq3A_56 = arith.cmpi eq, %arg0, %eq3A : i32
    %convert_element_type3A = arith.extui %eq3A_56 : i1 to i32
    %cond3A = arith.constant 0 : i32
    %cond3A_57 = arith.cmpi ne, %convert_element_type3A, %cond3A : i32
    scf.if %cond3A_57 {
      %broadcast_in_dim3A_77 = arith.constant 0.000000e+00 : f32
      %broadcast_in_dim3A_78 = vector.broadcast %broadcast_in_dim3A_77 : f32 to vector<1x16xf32>
      %swap3A_79 = arith.constant 0 : index
      %swap3A_80 = arith.constant 0 : index
      %swap3A_81 = vector.load %arg12[%swap3A_79, %swap3A_80] : memref<1x16xf32, #tpu.memory_space<vmem>>, vector<1x16xf32>
      tpu.vector_store %arg12[%swap3A_79, %swap3A_80], %broadcast_in_dim3A_78 {strides = array<i32>} : memref<1x16xf32, #tpu.memory_space<vmem>>, vector<1x16xf32>,
      %broadcast_in_dim3A_82 = arith.constant 0.000000e+00 : f32
      %broadcast_in_dim3A_83 = vector.broadcast %broadcast_in_dim3A_82 : f32 to vector<1x16xf32>
      %swap3A_84 = arith.constant 0 : index
      %swap3A_85 = arith.constant 0 : index
      %swap3A_86 = vector.load %arg13[%swap3A_84, %swap3A_85] : memref<1x16xf32, #tpu.memory_space<vmem>>, vector<1x16xf32>
      tpu.vector_store %arg13[%swap3A_84, %swap3A_85], %broadcast_in_dim3A_83 {strides = array<i32>} : memref<1x16xf32, #tpu.memory_space<vmem>>, vector<1x16xf32>,
    } else {
    }
    %get3A_58 = arith.constant 0 : index
    %get3A_59 = arith.constant 0 : index
    %get3A_60 = vector.load %arg12[%get3A_58, %get3A_59] : memref<1x16xf32, #tpu.memory_space<vmem>>, vector<1x16xf32>
    %reduce_sum3A = arith.constant dense<0.000000e+00> : vector<16xf32>
    %reduce_sum3A_61 = vector.multi_reduction <add>, %dot_general3A_55, %reduce_sum3A [0] : vector<8192x16xf32> to vector<16xf32>
    %broadcast_in_dim3A_62 = vector.shape_cast %reduce_sum3A_61 : vector<16xf32> to vector<1x16xf32>
    %add3A_63 = arith.addf %get3A_60, %broadcast_in_dim3A_62 : vector<1x16xf32>
    %swap3A = arith.constant 0 : index
    %swap3A_64 = arith.constant 0 : index
    %swap3A_65 = vector.load %arg12[%swap3A, %swap3A_64] : memref<1x16xf32, #tpu.memory_space<vmem>>, vector<1x16xf32>
    tpu.vector_store %arg12[%swap3A, %swap3A_64], %add3A_63 {strides = array<i32>} : memref<1x16xf32, #tpu.memory_space<vmem>>, vector<1x16xf32>,
    %get3A_66 = arith.constant 0 : index
    %get3A_67 = arith.constant 0 : index
    %get3A_68 = vector.load %arg13[%get3A_66, %get3A_67] : memref<1x16xf32, #tpu.memory_space<vmem>>, vector<1x16xf32>
    %mul3A_69 = arith.mulf %dot_general3A_55, %dot_general3A_55 : vector<8192x16xf32>
    %reduce_sum3A_70 = arith.constant dense<0.000000e+00> : vector<16xf32>
    %reduce_sum3A_71 = vector.multi_reduction <add>, %mul3A_69, %reduce_sum3A_70 [0] : vector<8192x16xf32> to vector<16xf32>
    %broadcast_in_dim3A_72 = vector.shape_cast %reduce_sum3A_71 : vector<16xf32> to vector<1x16xf32>
    %add3A_73 = arith.addf %get3A_68, %broadcast_in_dim3A_72 : vector<1x16xf32>
    %swap3A_74 = arith.constant 0 : index
    %swap3A_75 = arith.constant 0 : index
    %swap3A_76 = vector.load %arg13[%swap3A_74, %swap3A_75] : memref<1x16xf32, #tpu.memory_space<vmem>>, vector<1x16xf32>
    tpu.vector_store %arg13[%swap3A_74, %swap3A_75], %add3A_73 {strides = array<i32>} : memref<1x16xf32, #tpu.memory_space<vmem>>, vector<1x16xf32>,
    return
  }
  func.func @transform_0(%arg0: i32) -> (i32, i32) {
    %c0_i32 = arith.constant 0 : i32
    %c0_i32_0 = arith.constant 0 : i32
    return %arg0, %c0_i32 : i32, i32
  }
  func.func @transform_1(%arg0: i32) -> (i32, i32) {
    %c0_i32 = arith.constant 0 : i32
    %c0_i32_0 = arith.constant 0 : i32
    return %arg0, %c0_i32 : i32, i32
  }
  func.func @transform_2(%arg0: i32) -> (i32, i32) {
    %c0_i32 = arith.constant 0 : i32
    %c0_i32_0 = arith.constant 0 : i32
    return %arg0, %c0_i32 : i32, i32
  }
  func.func @transform_3(%arg0: i32) -> (i32, i32) {
    %c0_i32 = arith.constant 0 : i32
    %c0_i32_0 = arith.constant 0 : i32
    %c0_i32_1 = arith.constant 0 : i32
    return %c0_i32, %c0_i32_0 : i32, i32
  }
  func.func @transform_4(%arg0: i32) -> (i32, i32) {
    %c0_i32 = arith.constant 0 : i32
    %c0_i32_0 = arith.constant 0 : i32
    %c0_i32_1 = arith.constant 0 : i32
    return %c0_i32, %c0_i32_0 : i32, i32
  }
  func.func @transform_5(%arg0: i32) -> (i32, i32) {
    %c0_i32 = arith.constant 0 : i32
    %c0_i32_0 = arith.constant 0 : i32
    %c0_i32_1 = arith.constant 0 : i32
    return %c0_i32, %c0_i32_0 : i32, i32
  }
  func.func @transform_6(%arg0: i32) -> (i32, i32) {
    %c0_i32 = arith.constant 0 : i32
    %c0_i32_0 = arith.constant 0 : i32
    %c0_i32_1 = arith.constant 0 : i32
    return %c0_i32, %c0_i32_0 : i32, i32
  }
  func.func @transform_7(%arg0: i32) -> (i32, i32) {
    %c0_i32 = arith.constant 0 : i32
    %c0_i32_0 = arith.constant 0 : i32
    %c0_i32_1 = arith.constant 0 : i32
    return %c0_i32, %c0_i32_0 : i32, i32
  }
  func.func @transform_8(%arg0: i32) -> (i32, i32) {
    %c0_i32 = arith.constant 0 : i32
    %c0_i32_0 = arith.constant 0 : i32
    %c0_i32_1 = arith.constant 0 : i32
    return %c0_i32, %c0_i32_0 : i32, i32
  }
  func.func @transform_9(%arg0: i32) -> (i32, i32) {
    %c0_i32 = arith.constant 0 : i32
    %c0_i32_0 = arith.constant 0 : i32
    %c0_i32_1 = arith.constant 0 : i32
    return %c0_i32, %c0_i32_0 : i32, i32
  }
  func.func @transform_10(%arg0: i32) -> (i32, i32) {
    %c0_i32 = arith.constant 0 : i32
    %c0_i32_0 = arith.constant 0 : i32
    %c0_i32_1 = arith.constant 0 : i32
    return %c0_i32, %c0_i32_0 : i32, i32
  }
  func.func @transform_11(%arg0: i32) -> (i32, i32) {
    %c0_i32 = arith.constant 0 : i32
    %c0_i32_0 = arith.constant 0 : i32
    %c0_i32_1 = arith.constant 0 : i32
    return %c0_i32, %c0_i32_0 : i32, i32
  }
  func.func @transform_12(%arg0: i32) -> (i32, i32) {
    %c0_i32 = arith.constant 0 : i32
    %c0_i32_0 = arith.constant 0 : i32
    %c0_i32_1 = arith.constant 0 : i32
    return %c0_i32, %c0_i32_0 : i32, i32
  }
}

module attributes {stable_mosaic.version = 14 : i64} {
  func.func @_p3_kernel(%arg0: i32, %arg1: memref<8192x128xf32, #tpu.memory_space<vmem>>, %arg2: memref<8192x16xf32, #tpu.memory_space<vmem>>, %arg3: memref<512x128xf32, #tpu.memory_space<vmem>>, %arg4: memref<16x16xf32, #tpu.memory_space<vmem>>, %arg5: memref<1x16xf32, #tpu.memory_space<vmem>>, %arg6: memref<1x16xf32, #tpu.memory_space<vmem>>, %arg7: memref<16x128xf32, #tpu.memory_space<vmem>>, %arg8: memref<1x128xf32, #tpu.memory_space<vmem>>, %arg9: memref<1x128xf32, #tpu.memory_space<vmem>>, %arg10: memref<1x128xf32, #tpu.memory_space<vmem>>, %arg11: memref<16x128xf32, #tpu.memory_space<vmem>>, %arg12: memref<1x16xf32, #tpu.memory_space<vmem>>, %arg13: memref<1x16xf32, #tpu.memory_space<vmem>>, %arg14: memref<16x16xf32, #tpu.memory_space<vmem>>, %arg15: memref<1x16xf32, #tpu.memory_space<vmem>>, %arg16: memref<16x128xf32, #tpu.memory_space<vmem>>, %arg17: memref<512x128xf32, #tpu.memory_space<vmem>>) attributes {dimension_semantics = [#tpu.dimension_semantics<arbitrary>], iteration_bounds = array<i64: 32>, scalar_prefetch = 0 : i64, scratch_operands = 0 : i64, tpu.core_type = #tpu.core_type<tc>, window_params = [{transform_indices = @transform_0, window_bounds = array<i64: 8192, 128>}, {transform_indices = @transform_1, window_bounds = array<i64: 8192, 16>}, {transform_indices = @transform_2, window_bounds = array<i64: 512, 128>}, {pipeline_mode = #tpu.pipeline_mode<synchronous>, transform_indices = @transform_3, window_bounds = array<i64: 16, 16>}, {pipeline_mode = #tpu.pipeline_mode<synchronous>, transform_indices = @transform_4, window_bounds = array<i64: 1, 16>}, {pipeline_mode = #tpu.pipeline_mode<synchronous>, transform_indices = @transform_5, window_bounds = array<i64: 1, 16>}, {pipeline_mode = #tpu.pipeline_mode<synchronous>, transform_indices = @transform_6, window_bounds = array<i64: 16, 128>}, {pipeline_mode = #tpu.pipeline_mode<synchronous>, transform_indices = @transform_7, window_bounds = array<i64: 1, 128>}, {pipeline_mode = #tpu.pipeline_mode<synchronous>, transform_indices = @transform_8, window_bounds = array<i64: 1, 128>}, {pipeline_mode = #tpu.pipeline_mode<synchronous>, transform_indices = @transform_9, window_bounds = array<i64: 1, 128>}, {pipeline_mode = #tpu.pipeline_mode<synchronous>, transform_indices = @transform_10, window_bounds = array<i64: 16, 128>}, {pipeline_mode = #tpu.pipeline_mode<synchronous>, transform_indices = @transform_11, window_bounds = array<i64: 1, 16>}, {pipeline_mode = #tpu.pipeline_mode<synchronous>, transform_indices = @transform_12, window_bounds = array<i64: 1, 16>}, {pipeline_mode = #tpu.pipeline_mode<synchronous>, transform_indices = @transform_13, window_bounds = array<i64: 16, 16>}, {pipeline_mode = #tpu.pipeline_mode<synchronous>, transform_indices = @transform_14, window_bounds = array<i64: 1, 16>}, {pipeline_mode = #tpu.pipeline_mode<synchronous>, transform_indices = @transform_15, window_bounds = array<i64: 16, 128>}, {transform_indices = @transform_16, window_bounds = array<i64: 512, 128>}]} {
    %get3A = arith.constant 0 : index
    %get3A_0 = arith.constant 0 : index
    %get3A_1 = vector.load %arg2[%get3A, %get3A_0] : memref<8192x16xf32, #tpu.memory_space<vmem>>, vector<8192x16xf32>
    %get3A_2 = arith.constant 0 : index
    %get3A_3 = arith.constant 0 : index
    %get3A_4 = vector.load %arg4[%get3A_2, %get3A_3] : memref<16x16xf32, #tpu.memory_space<vmem>>, vector<16x16xf32>
    %get3A_5 = arith.constant 0 : index
    %get3A_6 = arith.constant 0 : index
    %get3A_7 = vector.load %arg5[%get3A_5, %get3A_6] : memref<1x16xf32, #tpu.memory_space<vmem>>, vector<1x16xf32>
    %get3A_8 = arith.constant 0 : index
    %get3A_9 = arith.constant 0 : index
    %get3A_10 = vector.load %arg6[%get3A_8, %get3A_9] : memref<1x16xf32, #tpu.memory_space<vmem>>, vector<1x16xf32>
    %get3A_11 = arith.constant 0 : index
    %get3A_12 = arith.constant 0 : index
    %get3A_13 = vector.load %arg7[%get3A_11, %get3A_12] : memref<16x128xf32, #tpu.memory_space<vmem>>, vector<16x128xf32>
    %get3A_14 = arith.constant 0 : index
    %get3A_15 = arith.constant 0 : index
    %get3A_16 = vector.load %arg8[%get3A_14, %get3A_15] : memref<1x128xf32, #tpu.memory_space<vmem>>, vector<1x128xf32>
    %dot_general3A = arith.constant dense<0.000000e+00> : vector<8192x16xf32>
    %dot_general3A_17 = tpu.matmul %get3A_1, %get3A_4, %dot_general3A {dimension_numbers = #tpu.dot_dimension_numbers<[1], [1], [0], [0], [0, 0, 1, 0], [], []>, transpose_lhs_hint = false} : vector<8192x16xf32>, vector<16x16xf32>, vector<8192x16xf32> -> vector<8192x16xf32>
    %mul3A = vector.broadcast %get3A_7 : vector<1x16xf32> to vector<8192x16xf32>
    %mul3A_18 = arith.mulf %dot_general3A_17, %mul3A : vector<8192x16xf32>
    %add3A = vector.broadcast %get3A_10 : vector<1x16xf32> to vector<8192x16xf32>
    %add3A_19 = arith.addf %mul3A_18, %add3A : vector<8192x16xf32>
    %max3A = arith.constant 0.000000e+00 : f32
    %max3A_20 = vector.broadcast %max3A : f32 to vector<8192x16xf32>
    %max3A_21 = arith.maximumf %add3A_19, %max3A_20 : vector<8192x16xf32>
    %dot_general3A_22 = arith.constant dense<0.000000e+00> : vector<8192x128xf32>
    %dot_general3A_23 = tpu.matmul %max3A_21, %get3A_13, %dot_general3A_22 {dimension_numbers = #tpu.dot_dimension_numbers<[1], [0], [0], [1], [0, 0, 1, 1], [], []>, transpose_lhs_hint = false} : vector<8192x16xf32>, vector<16x128xf32>, vector<8192x128xf32> -> vector<8192x128xf32>
    %add3A_24 = vector.broadcast %get3A_16 : vector<1x128xf32> to vector<8192x128xf32>
    %add3A_25 = arith.addf %dot_general3A_23, %add3A_24 : vector<8192x128xf32>
    %get3A_26 = arith.constant 0 : index
    %get3A_27 = arith.constant 0 : index
    %get3A_28 = vector.load %arg1[%get3A_26, %get3A_27] : memref<8192x128xf32, #tpu.memory_space<vmem>>, vector<8192x128xf32>
    %bitcast_convert_type3A = tpu.bitcast %get3A_28 : vector<8192x128xf32> -> vector<8192x128xi32>
    %and3A = arith.constant -65536 : i32
    %and3A_29 = vector.broadcast %and3A : i32 to vector<8192x128xi32>
    %and3A_30 = arith.andi %bitcast_convert_type3A, %and3A_29 : vector<8192x128xi32>
    %bitcast_convert_type3A_31 = tpu.bitcast %and3A_30 : vector<8192x128xi32> -> vector<8192x128xf32>
    %bitcast_convert_type3A_32 = tpu.bitcast %get3A_28 : vector<8192x128xf32> -> vector<8192x128xi32>
    %shift_left3A = arith.constant 16 : i32
    %shift_left3A_33 = vector.broadcast %shift_left3A : i32 to vector<8192x128xi32>
    %shift_left3A_34 = arith.shli %bitcast_convert_type3A_32, %shift_left3A_33 : vector<8192x128xi32>
    %bitcast_convert_type3A_35 = tpu.bitcast %shift_left3A_34 : vector<8192x128xi32> -> vector<8192x128xf32>
    %get3A_36 = arith.constant 0 : index
    %get3A_37 = arith.constant 0 : index
    %get3A_38 = vector.load %arg3[%get3A_36, %get3A_37] : memref<512x128xf32, #tpu.memory_space<vmem>>, vector<512x128xf32>
    %reshape3A = vector.shape_cast %get3A_38 : vector<512x128xf32> to vector<512x1x128xf32>
    %broadcast_in_dim3A = vector.shape_cast %reshape3A : vector<512x1x128xf32> to vector<512x1x128xf32>
    %broadcast_in_dim3A_39 = vector.broadcast %broadcast_in_dim3A : vector<512x1x128xf32> to vector<512x16x128xf32>
    %reshape3A_40 = vector.shape_cast %broadcast_in_dim3A_39 : vector<512x16x128xf32> to vector<8192x128xf32>
    %sub3A = arith.subf %reshape3A_40, %bitcast_convert_type3A_31 : vector<8192x128xf32>
    %add3A_41 = arith.addf %sub3A, %add3A_25 : vector<8192x128xf32>
    %get3A_42 = arith.constant 0 : index
    %get3A_43 = arith.constant 0 : index
    %get3A_44 = vector.load %arg9[%get3A_42, %get3A_43] : memref<1x128xf32, #tpu.memory_space<vmem>>, vector<1x128xf32>
    %mul3A_45 = vector.broadcast %get3A_44 : vector<1x128xf32> to vector<8192x128xf32>
    %mul3A_46 = arith.mulf %add3A_41, %mul3A_45 : vector<8192x128xf32>
    %get3A_47 = arith.constant 0 : index
    %get3A_48 = arith.constant 0 : index
    %get3A_49 = vector.load %arg10[%get3A_47, %get3A_48] : memref<1x128xf32, #tpu.memory_space<vmem>>, vector<1x128xf32>
    %add3A_50 = vector.broadcast %get3A_49 : vector<1x128xf32> to vector<8192x128xf32>
    %add3A_51 = arith.addf %mul3A_46, %add3A_50 : vector<8192x128xf32>
    %max3A_52 = arith.constant 0.000000e+00 : f32
    %max3A_53 = vector.broadcast %max3A_52 : f32 to vector<8192x128xf32>
    %max3A_54 = arith.maximumf %add3A_51, %max3A_53 : vector<8192x128xf32>
    %get3A_55 = arith.constant 0 : index
    %get3A_56 = arith.constant 0 : index
    %get3A_57 = vector.load %arg11[%get3A_55, %get3A_56] : memref<16x128xf32, #tpu.memory_space<vmem>>, vector<16x128xf32>
    %dot_general3A_58 = arith.constant dense<0.000000e+00> : vector<8192x16xf32>
    %dot_general3A_59 = tpu.matmul %max3A_54, %get3A_57, %dot_general3A_58 {dimension_numbers = #tpu.dot_dimension_numbers<[1], [1], [0], [0], [0, 0, 1, 0], [], []>, transpose_lhs_hint = false} : vector<8192x128xf32>, vector<16x128xf32>, vector<8192x16xf32> -> vector<8192x16xf32>
    %get3A_60 = arith.constant 0 : index
    %get3A_61 = arith.constant 0 : index
    %get3A_62 = vector.load %arg12[%get3A_60, %get3A_61] : memref<1x16xf32, #tpu.memory_space<vmem>>, vector<1x16xf32>
    %mul3A_63 = vector.broadcast %get3A_62 : vector<1x16xf32> to vector<8192x16xf32>
    %mul3A_64 = arith.mulf %dot_general3A_59, %mul3A_63 : vector<8192x16xf32>
    %get3A_65 = arith.constant 0 : index
    %get3A_66 = arith.constant 0 : index
    %get3A_67 = vector.load %arg13[%get3A_65, %get3A_66] : memref<1x16xf32, #tpu.memory_space<vmem>>, vector<1x16xf32>
    %add3A_68 = vector.broadcast %get3A_67 : vector<1x16xf32> to vector<8192x16xf32>
    %add3A_69 = arith.addf %mul3A_64, %add3A_68 : vector<8192x16xf32>
    %max3A_70 = arith.constant 0.000000e+00 : f32
    %max3A_71 = vector.broadcast %max3A_70 : f32 to vector<8192x16xf32>
    %max3A_72 = arith.maximumf %add3A_69, %max3A_71 : vector<8192x16xf32>
    %get3A_73 = arith.constant 0 : index
    %get3A_74 = arith.constant 0 : index
    %get3A_75 = vector.load %arg14[%get3A_73, %get3A_74] : memref<16x16xf32, #tpu.memory_space<vmem>>, vector<16x16xf32>
    %dot_general3A_76 = arith.constant dense<0.000000e+00> : vector<8192x16xf32>
    %dot_general3A_77 = tpu.matmul %max3A_72, %get3A_75, %dot_general3A_76 {dimension_numbers = #tpu.dot_dimension_numbers<[1], [1], [0], [0], [0, 0, 1, 0], [], []>, transpose_lhs_hint = false} : vector<8192x16xf32>, vector<16x16xf32>, vector<8192x16xf32> -> vector<8192x16xf32>
    %get3A_78 = arith.constant 0 : index
    %get3A_79 = arith.constant 0 : index
    %get3A_80 = vector.load %arg15[%get3A_78, %get3A_79] : memref<1x16xf32, #tpu.memory_space<vmem>>, vector<1x16xf32>
    %add3A_81 = vector.broadcast %get3A_80 : vector<1x16xf32> to vector<8192x16xf32>
    %add3A_82 = arith.addf %dot_general3A_77, %add3A_81 : vector<8192x16xf32>
    %reshape3A_83 = vector.shape_cast %add3A_82 : vector<8192x16xf32> to vector<512x16x16xf32>
    %reduce_max3A = arith.constant dense<0xFF800000> : vector<512x16xf32>
    %reduce_max3A_84 = vector.multi_reduction <maximumf>, %reshape3A_83, %reduce_max3A [1] : vector<512x16x16xf32> to vector<512x16xf32>
    %broadcast_in_dim3A_85 = vector.shape_cast %reduce_max3A_84 : vector<512x16xf32> to vector<512x1x16xf32>
    %sub3A_86 = vector.broadcast %broadcast_in_dim3A_85 : vector<512x1x16xf32> to vector<512x16x16xf32>
    %sub3A_87 = arith.subf %reshape3A_83, %sub3A_86 : vector<512x16x16xf32>
    %exp3A = math.exp %sub3A_87 : vector<512x16x16xf32>
    %reduce_sum3A = arith.constant dense<0.000000e+00> : vector<512x16xf32>
    %reduce_sum3A_88 = vector.multi_reduction <add>, %exp3A, %reduce_sum3A [1] : vector<512x16x16xf32> to vector<512x16xf32>
    %broadcast_in_dim3A_89 = vector.shape_cast %reduce_sum3A_88 : vector<512x16xf32> to vector<512x1x16xf32>
    %div3A = vector.broadcast %broadcast_in_dim3A_89 : vector<512x1x16xf32> to vector<512x16x16xf32>
    %div3A_90 = arith.divf %exp3A, %div3A : vector<512x16x16xf32>
    %reshape3A_91 = vector.shape_cast %div3A_90 : vector<512x16x16xf32> to vector<8192x16xf32>
    %get3A_92 = arith.constant 0 : index
    %get3A_93 = arith.constant 0 : index
    %get3A_94 = vector.load %arg16[%get3A_92, %get3A_93] : memref<16x128xf32, #tpu.memory_space<vmem>>, vector<16x128xf32>
    %dot_general3A_95 = arith.constant dense<0.000000e+00> : vector<8192x128xf32>
    %dot_general3A_96 = tpu.matmul %reshape3A_91, %get3A_94, %dot_general3A_95 {dimension_numbers = #tpu.dot_dimension_numbers<[1], [0], [0], [1], [0, 0, 1, 1], [], []>, transpose_lhs_hint = false} : vector<8192x16xf32>, vector<16x128xf32>, vector<8192x128xf32> -> vector<8192x128xf32>
    %add3A_97 = arith.addf %bitcast_convert_type3A_35, %add3A_25 : vector<8192x128xf32>
    %mul3A_98 = arith.mulf %dot_general3A_96, %add3A_97 : vector<8192x128xf32>
    %reshape3A_99 = vector.shape_cast %mul3A_98 : vector<8192x128xf32> to vector<512x16x128xf32>
    %reduce_sum3A_100 = arith.constant dense<0.000000e+00> : vector<512x128xf32>
    %reduce_sum3A_101 = vector.multi_reduction <add>, %reshape3A_99, %reduce_sum3A_100 [1] : vector<512x16x128xf32> to vector<512x128xf32>
    %swap3A = arith.constant 0 : index
    %swap3A_102 = arith.constant 0 : index
    %swap3A_103 = vector.load %arg17[%swap3A, %swap3A_102] : memref<512x128xf32, #tpu.memory_space<vmem>>, vector<512x128xf32>
    tpu.vector_store %arg17[%swap3A, %swap3A_102], %reduce_sum3A_101 {strides = array<i32>} : memref<512x128xf32, #tpu.memory_space<vmem>>, vector<512x128xf32>,
    return
  }
  func.func @transform_0(%arg0: i32) -> (i32, i32) {
    %c0_i32 = arith.constant 0 : i32
    %c0_i32_0 = arith.constant 0 : i32
    return %arg0, %c0_i32 : i32, i32
  }
  func.func @transform_1(%arg0: i32) -> (i32, i32) {
    %c0_i32 = arith.constant 0 : i32
    %c0_i32_0 = arith.constant 0 : i32
    return %arg0, %c0_i32 : i32, i32
  }
  func.func @transform_2(%arg0: i32) -> (i32, i32) {
    %c0_i32 = arith.constant 0 : i32
    %c0_i32_0 = arith.constant 0 : i32
    return %arg0, %c0_i32 : i32, i32
  }
  func.func @transform_3(%arg0: i32) -> (i32, i32) {
    %c0_i32 = arith.constant 0 : i32
    %c0_i32_0 = arith.constant 0 : i32
    %c0_i32_1 = arith.constant 0 : i32
    return %c0_i32, %c0_i32_0 : i32, i32
  }
  func.func @transform_4(%arg0: i32) -> (i32, i32) {
    %c0_i32 = arith.constant 0 : i32
    %c0_i32_0 = arith.constant 0 : i32
    %c0_i32_1 = arith.constant 0 : i32
    return %c0_i32, %c0_i32_0 : i32, i32
  }
  func.func @transform_5(%arg0: i32) -> (i32, i32) {
    %c0_i32 = arith.constant 0 : i32
    %c0_i32_0 = arith.constant 0 : i32
    %c0_i32_1 = arith.constant 0 : i32
    return %c0_i32, %c0_i32_0 : i32, i32
  }
  func.func @transform_6(%arg0: i32) -> (i32, i32) {
    %c0_i32 = arith.constant 0 : i32
    %c0_i32_0 = arith.constant 0 : i32
    %c0_i32_1 = arith.constant 0 : i32
    return %c0_i32, %c0_i32_0 : i32, i32
  }
  func.func @transform_7(%arg0: i32) -> (i32, i32) {
    %c0_i32 = arith.constant 0 : i32
    %c0_i32_0 = arith.constant 0 : i32
    %c0_i32_1 = arith.constant 0 : i32
    return %c0_i32, %c0_i32_0 : i32, i32
  }
  func.func @transform_8(%arg0: i32) -> (i32, i32) {
    %c0_i32 = arith.constant 0 : i32
    %c0_i32_0 = arith.constant 0 : i32
    %c0_i32_1 = arith.constant 0 : i32
    return %c0_i32, %c0_i32_0 : i32, i32
  }
  func.func @transform_9(%arg0: i32) -> (i32, i32) {
    %c0_i32 = arith.constant 0 : i32
    %c0_i32_0 = arith.constant 0 : i32
    %c0_i32_1 = arith.constant 0 : i32
    return %c0_i32, %c0_i32_0 : i32, i32
  }
  func.func @transform_10(%arg0: i32) -> (i32, i32) {
    %c0_i32 = arith.constant 0 : i32
    %c0_i32_0 = arith.constant 0 : i32
    %c0_i32_1 = arith.constant 0 : i32
    return %c0_i32, %c0_i32_0 : i32, i32
  }
  func.func @transform_11(%arg0: i32) -> (i32, i32) {
    %c0_i32 = arith.constant 0 : i32
    %c0_i32_0 = arith.constant 0 : i32
    %c0_i32_1 = arith.constant 0 : i32
    return %c0_i32, %c0_i32_0 : i32, i32
  }
  func.func @transform_12(%arg0: i32) -> (i32, i32) {
    %c0_i32 = arith.constant 0 : i32
    %c0_i32_0 = arith.constant 0 : i32
    %c0_i32_1 = arith.constant 0 : i32
    return %c0_i32, %c0_i32_0 : i32, i32
  }
  func.func @transform_13(%arg0: i32) -> (i32, i32) {
    %c0_i32 = arith.constant 0 : i32
    %c0_i32_0 = arith.constant 0 : i32
    %c0_i32_1 = arith.constant 0 : i32
    return %c0_i32, %c0_i32_0 : i32, i32
  }
  func.func @transform_14(%arg0: i32) -> (i32, i32) {
    %c0_i32 = arith.constant 0 : i32
    %c0_i32_0 = arith.constant 0 : i32
    %c0_i32_1 = arith.constant 0 : i32
    return %c0_i32, %c0_i32_0 : i32, i32
  }
  func.func @transform_15(%arg0: i32) -> (i32, i32) {
    %c0_i32 = arith.constant 0 : i32
    %c0_i32_0 = arith.constant 0 : i32
    %c0_i32_1 = arith.constant 0 : i32
    return %c0_i32, %c0_i32_0 : i32, i32
  }
  func.func @transform_16(%arg0: i32) -> (i32, i32) {
    %c0_i32 = arith.constant 0 : i32
    %c0_i32_0 = arith.constant 0 : i32
    return %arg0, %c0_i32 : i32, i32
  }
}

</mosaic_0001>

<sc_bundles>
// kernel: kernel.10.cloned.1.call-start
scs
__scs_entry_jumppad:
0x0: {  	(pc) =	sbr.rel $0x88, $3  }
0x1: {  	(tag) =	ssettag $0x0;
	lr =	simm.s32 $0x1  }
0x2: {  	[smem:$0x3F8D] =	sst lr;
	_ =	strace $0xD0000000  }
0x3: {  	_ = 	snop  }
0x4: {  	_ = 	snop  }
0x5: {  	_ = 	snop  }
0x6: {  	_ = 	snop  }
0x7: {  	_ = 	snop  }
__scs_overlays_trampoline_lowered:
0x8: {  	[smem:$0x3F9C] =	sst s0  }
0x9: {  	[smem:$0x3F9D] =	sst s1  }
0xa: {  	[smem:$0x3F9E] =	sst s2  }
0xb: {  	[smem:$0x3F9F] =	sst s3  }
0xc: {  	[smem:$0x3FA0] =	sst s4  }
0xd: {  	[smem:$0x3FA1] =	sst s5  }
0xe: {  	[smem:$0x3FA2] =	sst s6  }
0xf: {  	[smem:$0x3FA3] =	sst s7  }
0x10: {  	[smem:$0x3FA4] =	sst s8  }
0x11: {  	[smem:$0x3FA5] =	sst s9;
	s0 =	simm.s32 @!p0 $0x0  }
0x12: {  	s1 =	sld [smem:$0x3F8B];
	s0 =	simm.s32 @p0 $0x1  }
0x13: {  	[smem:$0x3FA6] =	sst s0;
	s0 =	simm.s32 @!p1 $0x0  }
0x14: {  	s2 =	sld [smem:$0x3F8A];
	s0 =	simm.s32 @p1 $0x1  }
0x15: {  	[smem:$0x3FA7] =	sst s0;
	s0 =	simm.s32 @!p2 $0x0  }
0x16: {  	s3 =	sld [smem:$0x3FDB];
	s0 =	simm.s32 @p2 $0x1  }
0x17: {  	s4 =	simm.s32 $0x1BF5;
	[smem:$0x3FA9] =	sst s0  }
0x18: {  	s0 =	sld [smem:$0x3F8C];
	_ =	swait.ge [sflag:s4], $0x0  }
0x19: {  	s7 =	sld [smem:$0x3F8D]  }
0x1a: {  	s8 =	sadd.s32 $0xFFFFE003, lr  }
0x1b: {  	s9 =	sadd.s32 $0xFFFFFEF7, lr;
	s5 =	simm.s32 $0xFFFFFFFF;
	p2 =	slt.u32 s8, $0xFFFFF086  }
0x1c: {  	p1 =	slt.u32 s9, $0xF7A;
	s5 =	simm.s32 @!p2 $0x0  }
0x1d: {  	s5 =	simm.s32 @p1 $0x1;
	p0 =	seq.s32 s7, s2  }
0x1e: {  	s7 =	smul.u32 @!p0 $0xF7A, s2;
	p2 =	seq.s32 @!p0 s5, $0x0  }
0x1f: {  	s9 =	smul.u32 $0xF7A, s1;
	s8 =	simm.s32 @!p0 $0x1BF5;
	p2 =	por !p2, p0  }
0x20: {  	[sflag:s8] =	ssyncset.s32 @!p0 $0xFFFFF086;
	s6 =	sadd.s32 @!p0 s3, s7;
	s7 =	simm.s32 @!p0 $0x108  }
0x21: {  	s3 =	sadd.s32 s3, s9;
	s6 =	sadd.s32 @!p0 $0x88, s6;
	s7 =	simm.s32 @p2 $0x1082  }
0x22: {  	[simem:s7], [sflag:s8] =	dma.local @!p0 [hbm:s6], $0xF7A  }
0x23: {  	s9 =	sor.u32 $0xD0000000, s2;
	s6 =	simm.s32 $0x108;
	_ =	swait.ge @!p0 [sflag:s8], $0x0  }
0x24: {  	s3 =	sadd.s32 $0x88, s3;
	s6 =	simm.s32 @!p1 $0x1082;
	[sflag:s4] =	ssyncset.s32 $0xFFFFF086  }
0x25: {  	[simem:s6], [sflag:s4] =	dma.local [hbm:s3], $0xF7A  }
0x26: {  	[smem:$0x3F8D] =	sst s1;
	(tag) =	ssettag s2;
	_ =	strace s9  }
0x27: {  	s1 =	sld [smem:$0x3F9D]  }
0x28: {  	s2 =	sld [smem:$0x3F9E]  }
0x29: {  	s4 =	sld [smem:$0x3FA0]  }
0x2a: {  	p0 =	seq.s32 s5, $0x0;
	s5 =	sld [smem:$0x3FA1]  }
0x2b: {  	s6 =	sld [smem:$0x3FA2]  }
0x2c: {  	s7 =	sld [smem:$0x3FA3]  }
0x2d: {  	s3 =	simm.s32 $0x108;
	s8 =	sld [smem:$0x3FA4]  }
0x2e: {  	s3 =	simm.s32 @!p0 $0x1082;
	s9 =	sld [smem:$0x3FA5]  }
0x2f: {  	lr =	sadd.s32 s0, s3;
	s0 =	sld [smem:$0x3F9C]  }
0x30: {  	s3 =	sld [smem:$0x3F9F]  }
0x31: {  	[smem:$0x3FA8] =	sst s10  }
0x32: {  	s10 =	sld [smem:$0x3FA6];
	_ =	sdelay $0x3  }
0x33: {  	p0 =	seq.s32 s10, $0x1;
	s10 =	sld [smem:$0x3FA8];
	_ =	sdelay $0x3  }
0x34: {  	[smem:$0x3FA8] =	sst s10  }
0x35: {  	s10 =	sld [smem:$0x3FA7];
	_ =	sdelay $0x3  }
0x36: {  	p1 =	seq.s32 s10, $0x1;
	s10 =	sld [smem:$0x3FA8];
	_ =	sdelay $0x3  }
0x37: {  	[smem:$0x3FA8] =	sst s10  }
0x38: {  	s10 =	sld [smem:$0x3FA9]  }
0x39: {  	_ = 	snop;
	(pc) =	sbr.ind lr, $3  }
0x3a: {  	_ = 	snop  }
0x3b: {  	_ = 	snop  }
0x3c: {  	p2 =	seq.s32 s10, $0x1;
	s10 =	sld [smem:$0x3FA8]  }
0x3d: {  	_ =	shalt  }
0x3e: {  	_ =	shalt  }
0x3f: {  	_ =	shalt  }
0x40: {  	_ =	shalt  }
0x41: {  	_ =	shalt  }
0x42: {  	_ =	shalt  }
0x43: {  	_ =	shalt  }
0x44: {  	_ =	shalt  }
0x45: {  	_ =	shalt  }
0x46: {  	_ =	shalt  }
0x47: {  	_ =	shalt  }
0x48: {  	_ =	shalt  }
0x49: {  	_ =	shalt  }
0x4a: {  	_ =	shalt  }
0x4b: {  	_ =	shalt  }
0x4c: {  	_ =	shalt  }
0x4d: {  	_ =	shalt  }
0x4e: {  	_ =	shalt  }
0x4f: {  	_ =	shalt  }
0x50: {  	_ =	shalt  }
0x51: {  	_ =	shalt  }
0x52: {  	_ =	shalt  }
0x53: {  	_ =	shalt  }
0x54: {  	_ =	shalt  }
0x55: {  	_ =	shalt  }
0x56: {  	_ =	shalt  }
0x57: {  	_ =	shalt  }
0x58: {  	_ =	shalt  }
0x59: {  	_ =	shalt  }
0x5a: {  	_ =	shalt  }
0x5b: {  	_ =	shalt  }
0x5c: {  	_ =	shalt  }
0x5d: {  	_ =	shalt  }
0x5e: {  	_ =	shalt  }
0x5f: {  	_ =	shalt  }
0x60: {  	_ =	shalt  }
0x61: {  	_ =	shalt  }
0x62: {  	_ =	shalt  }
0x63: {  	_ =	shalt  }
0x64: {  	_ =	shalt  }
0x65: {  	_ =	shalt  }
0x66: {  	_ =	shalt  }
0x67: {  	_ =	shalt  }
0x68: {  	_ =	shalt  }
0x69: {  	_ =	shalt  }
0x6a: {  	_ =	shalt  }
0x6b: {  	_ =	shalt  }
0x6c: {  	_ =	shalt  }
0x6d: {  	_ =	shalt  }
0x6e: {  	_ =	shalt  }
0x6f: {  	_ =	shalt  }
0x70: {  	_ =	shalt  }
0x71: {  	_ =	shalt  }
0x72: {  	_ =	shalt  }
0x73: {  	_ =	shalt  }
0x74: {  	_ =	shalt  }
0x75: {  	_ =	shalt  }
0x76: {  	_ =	shalt  }
0x77: {  	_ =	shalt  }
0x78: {  	_ =	shalt  }
0x79: {  	_ =	shalt  }
0x7a: {  	_ =	shalt  }
0x7b: {  	_ =	shalt  }
0x7c: {  	_ =	shalt  }
0x7d: {  	_ =	shalt  }
0x7e: {  	_ =	shalt  }
0x7f: {  	_ =	shalt  }
0x80: {  	_ =	shalt  }
0x81: {  	_ =	shalt  }
0x82: {  	_ =	shalt  }
0x83: {  	_ =	shalt  }
0x84: {  	_ =	shalt  }
0x85: {  	_ =	shalt  }
0x86: {  	_ =	shalt  }
0x87: {  	_ =	shalt  }
.Lfunc_end0:
.L_simem_size_0:
called_computation_lowered:
.L_overlay_start_0:
0x88: {  	s2 =	sld [smem:$0x3FD9]  }
0x89: {  	s3 =	sld [smem:$0x3FFE];
	_ =	sdelay $0x1  }
0x8a: {  	s1 =	srdreg.scid  }
0x8b: {  	s0 =	sand.u32 $0x1, s1  }
0x8c: {  	s16 =	sshll.u32 s0, $0xA;
	s2 =	sadd.s32 s3, s2  }
0x8d: {  	s2 =	sadd.s32 s2, s16  }
0x8e: {  	[smem:$0x3FB4] =	sst s2  }
0x8f: {  	_ = 	snop  }
0x90: {  	(tm) =	ssettm $0x1  }
0x91: {  	s17 =	sld [smem:$0x3FFB];
	_ =	sdelay $0x3  }
0x92: {  	_ =	strace s17  }
0x93: {  	s2 =	sld [smem:$0x3FFC];
	_ =	sdelay $0x3  }
0x94: {  	_ =	strace s2  }
0x95: {  	s2 =	sld [smem:$0x3FFD];
	_ =	sdelay $0x3  }
0x96: {  	_ =	strace s2  }
0x97: {  	_ =	strace $0x8FFFFFFF  }
0x98: {  	s18 =	sld [smem:$0x3FDB];
	_ =	sdelay $0x1  }
0x99: {  	s19 =	simm.s32 $_scs_section_size  }
0x9a: {  	s4 =	simm.s32 $_size__tile_overlayer_lowered;
	s5 =	simm.s32 $_tile_overlayer_lowered  }
0x9b: {  	s22 =	simm.s32 $0x1BFF;
	s21 =	sshll.u32 s5, $0x1;
	s2 =	sadd.s32 s19, s18  }
0x9c: {  	s6 =	simm.s32 $0x0;
	s20 =	sshll.u32 s4, $0x1;
	s4 =	sadd.s32 s21, s2  }
0x9d: {  	[timem:s6], [sflag:s22] =	dma.local [hbm:s4], s20  }
0x9e: {  	_ =	swait.ge [sflag:s22], s20  }
0x9f: {  	s3 =	ssub.s32 $0x0, s20;
	[sflag:s22] =	ssyncset.done $0x0  }
0xa0: {  	[sflag:s22] =	ssyncadd.s32 s3;
	_ =	sdelay $0x1  }
0xa1: {  	s23 =	simm.s32 $0x1B8B  }
0xa2: {  	_ =	swait.ge [sflag:s23], $0x1  }
0xa3: {  	[sflag:s23] =	ssyncset.done $0x0  }
0xa4: {  	s25 =	simm.s32 $0x1B8E;
	s24 =	sld [smem:$0x3FFE];
	[sflag:s23] =	ssyncadd.s32 $0xFFFFFFFF  }
0xa5: {  	s26 =	simm.s32 $execute0_lowered;
	[smem:$0x3FD2] =	sst s25  }
0xa6: {  	s4 =	sshll.u32 s26, $0x1;
	_ =	strace $0x80000046;
	[dreg:$0x1] =	wrdreg $0xFFFFFFFF  }
0xa7: {  	s28 =	simm.s32 $_size_execute0_lowered;
	s2 =	sadd.s32 s2, s4;
	[dreg:$0x0] =	wrdreg $0x0  }
0xa8: {  	s4 =	sshll.u32 s28, $0x1;
	[dreg:$0x2] =	wrdreg s2  }
0xa9: {  	[dreg:$0x3] =	wrdreg s4  }
0xaa: {  	[dreg:$0x4] =	wrdreg $0xC0  }
0xab: {  	_ =	task [dreg:s6], $0x5FFFF  }
0xac: {  	[dreg:$0x1] =	wrdreg $0xFFFFFFFF  }
0xad: {  	[dreg:$0x0] =	wrdreg $0x60  }
0xae: {  	[dreg:$0x2] =	wrdreg s24  }
0xaf: {  	[dreg:$0x3] =	wrdreg $0x9  }
0xb0: {  	_ =	task.clear_ibuf [dreg:s6], $0x4FFFF;
	_ =	strace $0x90000046  }
0xb1: {  	s29 =	simm.s32 $0x9;
	_ =	strace $0x80000048  }
0xb2: {  	_ =	swait.ge [sflag:s29], $0x1  }
0xb3: {  	[sflag:s29] =	ssyncadd.s32 $0xFFFFFFFF  }
0xb4: {  	_ =	strace $0x90000048  }
0xb5: {  	_ =	sfence  }
0xb6: {  	s30 =	sld [smem:$0x0];
	_ =	sdelay $0x2  }
0xb7: {  	s31 =	sshll.u32 s1, $0xD;
	s1 =	sshrl.u32 s1, $0x2  }
0xb8: {  	s3 =	sand.u32 $0x4000, s31;
	s1 =	sadd.s32 s1, s30  }
0xb9: {  	s0 =	sor.u32 s3, s0;
	s1 =	sshll.u32 s1, $0x11  }
0xba: {  	s0 =	sor.u32 s1, s0  }
0xbb: {  	s0 =	sadd.s32 $0x8F2B, s0  }
0xbc: {  	[sflag:s0] =	ssyncadd.remote.s32 $0x1  }
0xbd: {  	_ =	sfence.sel $0xFFFF  }
0xbe: {  	[dreg:$0x0] =	wrdreg $0xFFFFFFFF;
	(pc) =	sbr.abs _section_cstart, $3  }
0xbf: {  	[dreg:$0x1] =	wrdreg $0xFFFFFFFF  }
0xc0: {  	_ =	task.clear_ibuf [dreg:s6], $0x2FFFF;
	_ =	strace $0x9FFFFFFF  }
0xc1: {  	(tm) =	ssettm $0x7FFFFFFF  }
tec
execute0_lowered:
.L_overlay_start_1:
0x0: {  	(tag) =	ssettag $0x1  }
0x1: {  	s4 =	rddreg [dreg:$0x0]  }
0x2: {  	s0 =	rddreg [dreg:$0x1];
	s2 =	simm.s32 $0x0;
	s3 =	srdreg.scid  }
0x3: {  	s1 =	stileid.u32;
	s10 =	simm.s32 $0x0;
	[smem:$0x7FF] =	sst s2  }
0x4: {  	s5 =	sand.u32 $0x1, s3;
	s6 =	sshll.u32 s1, $0xE;
	s3 =	sadd.s32 $0x44400, s4  }
0x5: {  	s8 =	sshll.u32 s1, $0x12;
	_ =	strace $0x80000047;
	s7 =	sshll.u32 s5, $0xD  }
0x6: {  	s31 =	ssub.s32 $0x2, s5;
	s8 =	sadd.s32 s8, s4;
	s5 =	sshll.u32 s5, $0x11  }
0x7: {  	s6 =	sor.u32 s7, s6;
	s9 =	sshrl.u32 s31, $0x1;
	s5 =	sadd.s32 s5, s8  }
0x8: {  	s8 =	simm.s32 $0x100;
	s6 =	sshrl.u32 s6, $0x3;
	s7 =	ssub.s32 s31, s9  }
0x9: {  	s5 =	sadd.s32 $0x8C400, s5;
	s9 =	simm.s32 $0x1;
	s6 =	sadd.s32 s6, s4  }
0xa: {  	s4 =	smax.u32 s7, $0x1;
	s7 =	simm.s32 $0x2;
	s6 =	sadd.s32 $0x84400, s6  }
.LBB2_1:
0xb: {  	s11 =	sadd.s32 $0x0, s6  }
0xc: {  	[tilespmem:s2], [sflag:$0x2] =	stream.linear.gather [hbm4b:s11+s2], $0x100, $0x38;
	[tilespmem:$0x8100] =	vst v63  }
0xd: {  	_ =	swait.ge [sflag:s7], $0x100  }
0xe: {  	[sflag:s7] =	ssyncset.done $0x0  }
0xf: {  	[sflag:s7] =	ssyncadd.s32 $0xFFFFFF00  }
0x10: {  	[tilespmem:s8], [sflag:$0x1] =	stream.indirect.gather [hbm4b:s3+s8], $0x80, s2, s8, $0xb8;
	[tilespmem:$0x8100] =	vst v63  }
0x11: {  	_ =	swait.ge [sflag:s9], $0x8000  }
0x12: {  	[sflag:s9] =	ssyncset.done $0x0  }
0x13: {  	[sflag:s9] =	ssyncadd.s32 $0xFFFF8000  }
0x14: {  	[hbm4b:s5+s2] =	stream.linear.scatter [tilespmem:s8], [sflag:$0x2], $0x8000, $0x38;
	[tilespmem:$0x8100] =	vst v63  }
0x15: {  	s12 =	simm.s32 $0x20;
	_ =	swait.ge [sflag:s7], $0x8000  }
0x16: {  	s13 =	simm.s32 $0x40;
	s11 =	sadd.s32 $0x1000, s5;
	[sflag:s7] =	ssyncset.done $0x0  }
.LBB2_2:
0x17: {  	s14 =	sadd.s32 s12, s6  }
0x18: {  	[sflag:s7] =	ssyncadd.s32 $0xFFFF8000;
	s12 =	smov.u32 s13;
	s15 =	sadd.s32 $0x20, s13  }
0x19: {  	[tilespmem:s2], [sflag:$0x2] =	stream.linear.gather [hbm4b:s14+s2], $0x100, $0x38;
	[tilespmem:$0x8100] =	vst v63  }
0x1a: {  	p0 =	sne.s32 s13, $0x3E0;
	_ =	swait.ge [sflag:s7], $0x100  }
0x1b: {  	[sflag:s7] =	ssyncset.done $0x0  }
0x1c: {  	[sflag:s7] =	ssyncadd.s32 $0xFFFFFF00  }
0x1d: {  	[tilespmem:s8], [sflag:$0x1] =	stream.indirect.gather [hbm4b:s3+s8], $0x80, s2, s8, $0xb8;
	[tilespmem:$0x8100] =	vst v63  }
0x1e: {  	_ =	swait.ge [sflag:s9], $0x8000  }
.Ltmp0:
0x1f: {  	[sflag:s9] =	ssyncset.done $0x0;
	(pc) =	sbr.rel @p0 .LBB2_2-.Ltmp0, $4  }
0x20: {  	[sflag:s9] =	ssyncadd.s32 $0xFFFF8000  }
0x21: {  	[hbm4b:s11+s2] =	stream.linear.scatter [tilespmem:s8], [sflag:$0x2], $0x8000, $0x38;
	[tilespmem:$0x8100] =	vst v63  }
0x22: {  	_ =	swait.ge [sflag:s7], $0x8000  }
0x23: {  	s13 =	smov.u32 s15;
	s11 =	sadd.s32 $0x1000, s11;
	[sflag:s7] =	ssyncset.done $0x0  }
0x24: {  	s12 =	sadd.s32 s12, s6;
	[sflag:s7] =	ssyncadd.s32 $0xFFFF8000  }
0x25: {  	[tilespmem:s2], [sflag:$0x2] =	stream.linear.gather [hbm4b:s12+s2], $0x100, $0x38;
	[tilespmem:$0x8100] =	vst v63  }
0x26: {  	_ =	swait.ge [sflag:s7], $0x100  }
0x27: {  	[sflag:s7] =	ssyncset.done $0x0  }
0x28: {  	[sflag:s7] =	ssyncadd.s32 $0xFFFFFF00  }
0x29: {  	[tilespmem:s8], [sflag:$0x1] =	stream.indirect.gather [hbm4b:s3+s8], $0x80, s2, s8, $0xb8;
	[tilespmem:$0x8100] =	vst v63  }
0x2a: {  	s10 =	sadd.s32 $0x1, s10;
	_ =	swait.ge [sflag:s9], $0x8000  }
0x2b: {  	p0 =	sne.s32 s10, s4;
	[sflag:s9] =	ssyncset.done $0x0  }
.Ltmp1:
0x2c: {  	[sflag:s9] =	ssyncadd.s32 $0xFFFF8000;
	(pc) =	sbr.rel @p0 .LBB2_1-.Ltmp1, $4  }
0x2d: {  	[hbm4b:s11+s2] =	stream.linear.scatter [tilespmem:s8], [sflag:$0x2], $0x8000, $0x38;
	[tilespmem:$0x8100] =	vst v63  }
0x2e: {  	_ =	swait.ge [sflag:s7], $0x8000  }
0x2f: {  	[sflag:s7] =	ssyncset.done $0x0  }
0x30: {  	[sflag:s7] =	ssyncadd.s32 $0xFFFF8000  }
0x31: {  	_ =	sfence.sel $0x180000  }
0x32: {  	[bflag:$0x0] =	sbarrier.arrive $0xFFFF  }
0x33: {  	p0 =	sne.s32 s1, $0x0;
	_ =	strace $0x90000047  }
0x34: {  	s0 =	sadd.s32 @!p0 $0x100000, s0;
	[bflag:$0x2] =	sbarrier.arrive $0xFFFF  }
0x35: {  	[sflag:s0] =	ssyncadd.tile.s32 @!p0 $0x1;
	_ =	shalt  }
.Lfunc_end2:
_tile_overlayer_lowered:
.L_overlay_start_2:
0x36: {  	(tag) =	ssettag $0x2  }
0x37: {  	s0 =	rddreg [dreg:$0x0];
	s2 =	stileid.u32  }
0x38: {  	s1 =	rddreg [dreg:$0x1];
	p0 =	sne.s32 s2, $0x0  }
0x39: {  	s3 =	rddreg [dreg:$0x2];
	[bflag:$0x3] =	sbarrier.arrive $0xFFFF;
	s2 =	simm.s32 @!p0 $0x1C02  }
0x3a: {  	[timem:s3], [sflag:s2] =	dma.local @!p0 [hbm:s0], s1  }
0x3b: {  	s0 =	simm.s32 @!p0 $0x2  }
0x3c: {  	_ =	swait.ge @!p0 [sflag:s0], s1  }
0x3d: {  	s1 =	ssub.s32 @!p0 $0x0, s1;
	[sflag:s0] =	ssyncset.done @!p0 $0x0  }
0x3e: {  	[sflag:s0] =	ssyncadd.s32 @!p0 s1  }
0x3f: {  	[bflag:$0x3] =	sbarrier.arrive $0xFFFF  }
0x40: {  	_ =	shalt  }

// kernel: kernel.13.cloned.1.call-start
scs
__scs_entry_jumppad:
0x0: {  	(pc) =	sbr.rel $0x88, $3  }
0x1: {  	(tag) =	ssettag $0x0;
	lr =	simm.s32 $0x1  }
0x2: {  	[smem:$0x3F8D] =	sst lr;
	_ =	strace $0xD0000000  }
0x3: {  	_ = 	snop  }
0x4: {  	_ = 	snop  }
0x5: {  	_ = 	snop  }
0x6: {  	_ = 	snop  }
0x7: {  	_ = 	snop  }
__scs_overlays_trampoline_lowered:
0x8: {  	[smem:$0x3F9C] =	sst s0  }
0x9: {  	[smem:$0x3F9D] =	sst s1  }
0xa: {  	[smem:$0x3F9E] =	sst s2  }
0xb: {  	[smem:$0x3F9F] =	sst s3  }
0xc: {  	[smem:$0x3FA0] =	sst s4  }
0xd: {  	[smem:$0x3FA1] =	sst s5  }
0xe: {  	[smem:$0x3FA2] =	sst s6  }
0xf: {  	[smem:$0x3FA3] =	sst s7  }
0x10: {  	[smem:$0x3FA4] =	sst s8  }
0x11: {  	[smem:$0x3FA5] =	sst s9;
	s0 =	simm.s32 @!p0 $0x0  }
0x12: {  	s1 =	sld [smem:$0x3F8B];
	s0 =	simm.s32 @p0 $0x1  }
0x13: {  	[smem:$0x3FA6] =	sst s0;
	s0 =	simm.s32 @!p1 $0x0  }
0x14: {  	s2 =	sld [smem:$0x3F8A];
	s0 =	simm.s32 @p1 $0x1  }
0x15: {  	[smem:$0x3FA7] =	sst s0;
	s0 =	simm.s32 @!p2 $0x0  }
0x16: {  	s3 =	sld [smem:$0x3FDB];
	s0 =	simm.s32 @p2 $0x1  }
0x17: {  	s4 =	simm.s32 $0x1BF5;
	[smem:$0x3FA9] =	sst s0  }
0x18: {  	s0 =	sld [smem:$0x3F8C];
	_ =	swait.ge [sflag:s4], $0x0  }
0x19: {  	s7 =	sld [smem:$0x3F8D]  }
0x1a: {  	s8 =	sadd.s32 $0xFFFFE003, lr  }
0x1b: {  	s9 =	sadd.s32 $0xFFFFFEF7, lr;
	s5 =	simm.s32 $0xFFFFFFFF;
	p2 =	slt.u32 s8, $0xFFFFF086  }
0x1c: {  	p1 =	slt.u32 s9, $0xF7A;
	s5 =	simm.s32 @!p2 $0x0  }
0x1d: {  	s5 =	simm.s32 @p1 $0x1;
	p0 =	seq.s32 s7, s2  }
0x1e: {  	s7 =	smul.u32 @!p0 $0xF7A, s2;
	p2 =	seq.s32 @!p0 s5, $0x0  }
0x1f: {  	s9 =	smul.u32 $0xF7A, s1;
	s8 =	simm.s32 @!p0 $0x1BF5;
	p2 =	por !p2, p0  }
0x20: {  	[sflag:s8] =	ssyncset.s32 @!p0 $0xFFFFF086;
	s6 =	sadd.s32 @!p0 s3, s7;
	s7 =	simm.s32 @!p0 $0x108  }
0x21: {  	s3 =	sadd.s32 s3, s9;
	s6 =	sadd.s32 @!p0 $0x88, s6;
	s7 =	simm.s32 @p2 $0x1082  }
0x22: {  	[simem:s7], [sflag:s8] =	dma.local @!p0 [hbm:s6], $0xF7A  }
0x23: {  	s9 =	sor.u32 $0xD0000000, s2;
	s6 =	simm.s32 $0x108;
	_ =	swait.ge @!p0 [sflag:s8], $0x0  }
0x24: {  	s3 =	sadd.s32 $0x88, s3;
	s6 =	simm.s32 @!p1 $0x1082;
	[sflag:s4] =	ssyncset.s32 $0xFFFFF086  }
0x25: {  	[simem:s6], [sflag:s4] =	dma.local [hbm:s3], $0xF7A  }
0x26: {  	[smem:$0x3F8D] =	sst s1;
	(tag) =	ssettag s2;
	_ =	strace s9  }
0x27: {  	s1 =	sld [smem:$0x3F9D]  }
0x28: {  	s2 =	sld [smem:$0x3F9E]  }
0x29: {  	s4 =	sld [smem:$0x3FA0]  }
0x2a: {  	p0 =	seq.s32 s5, $0x0;
	s5 =	sld [smem:$0x3FA1]  }
0x2b: {  	s6 =	sld [smem:$0x3FA2]  }
0x2c: {  	s7 =	sld [smem:$0x3FA3]  }
0x2d: {  	s3 =	simm.s32 $0x108;
	s8 =	sld [smem:$0x3FA4]  }
0x2e: {  	s3 =	simm.s32 @!p0 $0x1082;
	s9 =	sld [smem:$0x3FA5]  }
0x2f: {  	lr =	sadd.s32 s0, s3;
	s0 =	sld [smem:$0x3F9C]  }
0x30: {  	s3 =	sld [smem:$0x3F9F]  }
0x31: {  	[smem:$0x3FA8] =	sst s10  }
0x32: {  	s10 =	sld [smem:$0x3FA6];
	_ =	sdelay $0x3  }
0x33: {  	p0 =	seq.s32 s10, $0x1;
	s10 =	sld [smem:$0x3FA8];
	_ =	sdelay $0x3  }
0x34: {  	[smem:$0x3FA8] =	sst s10  }
0x35: {  	s10 =	sld [smem:$0x3FA7];
	_ =	sdelay $0x3  }
0x36: {  	p1 =	seq.s32 s10, $0x1;
	s10 =	sld [smem:$0x3FA8];
	_ =	sdelay $0x3  }
0x37: {  	[smem:$0x3FA8] =	sst s10  }
0x38: {  	s10 =	sld [smem:$0x3FA9]  }
0x39: {  	_ = 	snop;
	(pc) =	sbr.ind lr, $3  }
0x3a: {  	_ = 	snop  }
0x3b: {  	_ = 	snop  }
0x3c: {  	p2 =	seq.s32 s10, $0x1;
	s10 =	sld [smem:$0x3FA8]  }
0x3d: {  	_ =	shalt  }
0x3e: {  	_ =	shalt  }
0x3f: {  	_ =	shalt  }
0x40: {  	_ =	shalt  }
0x41: {  	_ =	shalt  }
0x42: {  	_ =	shalt  }
0x43: {  	_ =	shalt  }
0x44: {  	_ =	shalt  }
0x45: {  	_ =	shalt  }
0x46: {  	_ =	shalt  }
0x47: {  	_ =	shalt  }
0x48: {  	_ =	shalt  }
0x49: {  	_ =	shalt  }
0x4a: {  	_ =	shalt  }
0x4b: {  	_ =	shalt  }
0x4c: {  	_ =	shalt  }
0x4d: {  	_ =	shalt  }
0x4e: {  	_ =	shalt  }
0x4f: {  	_ =	shalt  }
0x50: {  	_ =	shalt  }
0x51: {  	_ =	shalt  }
0x52: {  	_ =	shalt  }
0x53: {  	_ =	shalt  }
0x54: {  	_ =	shalt  }
0x55: {  	_ =	shalt  }
0x56: {  	_ =	shalt  }
0x57: {  	_ =	shalt  }
0x58: {  	_ =	shalt  }
0x59: {  	_ =	shalt  }
0x5a: {  	_ =	shalt  }
0x5b: {  	_ =	shalt  }
0x5c: {  	_ =	shalt  }
0x5d: {  	_ =	shalt  }
0x5e: {  	_ =	shalt  }
0x5f: {  	_ =	shalt  }
0x60: {  	_ =	shalt  }
0x61: {  	_ =	shalt  }
0x62: {  	_ =	shalt  }
0x63: {  	_ =	shalt  }
0x64: {  	_ =	shalt  }
0x65: {  	_ =	shalt  }
0x66: {  	_ =	shalt  }
0x67: {  	_ =	shalt  }
0x68: {  	_ =	shalt  }
0x69: {  	_ =	shalt  }
0x6a: {  	_ =	shalt  }
0x6b: {  	_ =	shalt  }
0x6c: {  	_ =	shalt  }
0x6d: {  	_ =	shalt  }
0x6e: {  	_ =	shalt  }
0x6f: {  	_ =	shalt  }
0x70: {  	_ =	shalt  }
0x71: {  	_ =	shalt  }
0x72: {  	_ =	shalt  }
0x73: {  	_ =	shalt  }
0x74: {  	_ =	shalt  }
0x75: {  	_ =	shalt  }
0x76: {  	_ =	shalt  }
0x77: {  	_ =	shalt  }
0x78: {  	_ =	shalt  }
0x79: {  	_ =	shalt  }
0x7a: {  	_ =	shalt  }
0x7b: {  	_ =	shalt  }
0x7c: {  	_ =	shalt  }
0x7d: {  	_ =	shalt  }
0x7e: {  	_ =	shalt  }
0x7f: {  	_ =	shalt  }
0x80: {  	_ =	shalt  }
0x81: {  	_ =	shalt  }
0x82: {  	_ =	shalt  }
0x83: {  	_ =	shalt  }
0x84: {  	_ =	shalt  }
0x85: {  	_ =	shalt  }
0x86: {  	_ =	shalt  }
0x87: {  	_ =	shalt  }
.Lfunc_end0:
.L_simem_size_0:
called_computation.1_lowered:
.L_overlay_start_0:
0x88: {  	s2 =	sld [smem:$0x3FD9]  }
0x89: {  	s3 =	sld [smem:$0x3FFE];
	_ =	sdelay $0x1  }
0x8a: {  	s1 =	srdreg.scid  }
0x8b: {  	s0 =	sand.u32 $0x1, s1  }
0x8c: {  	s17 =	sshll.u32 s0, $0xA;
	s2 =	sadd.s32 s3, s2  }
0x8d: {  	s2 =	sadd.s32 s2, s17  }
0x8e: {  	[smem:$0x3FB4] =	sst s2  }
0x8f: {  	_ = 	snop  }
0x90: {  	s18 =	sld [smem:$0x3FD0];
	(tm) =	ssettm $0x1  }
0x91: {  	s19 =	sld [smem:$0x3FFB];
	_ =	sdelay $0x3  }
0x92: {  	_ =	strace s19  }
0x93: {  	s2 =	sld [smem:$0x3FFC];
	_ =	sdelay $0x3  }
0x94: {  	_ =	strace s2  }
0x95: {  	s2 =	sld [smem:$0x3FFD];
	_ =	sdelay $0x3  }
0x96: {  	_ =	strace s2  }
0x97: {  	_ =	strace $0x8FFFFFFF  }
0x98: {  	s20 =	sld [smem:$0x3FDB];
	_ =	sdelay $0x1  }
0x99: {  	s4 =	simm.s32 $_scs_section_size  }
0x9a: {  	s5 =	simm.s32 $_size__tile_overlayer_lowered;
	s6 =	simm.s32 $_tile_overlayer_lowered  }
0x9b: {  	s7 =	simm.s32 $0x1BFF;
	s21 =	sshll.u32 s6, $0x1;
	s4 =	sadd.s32 s4, s20  }
0x9c: {  	s22 =	simm.s32 $0x0;
	s5 =	sshll.u32 s5, $0x1;
	s6 =	sadd.s32 s21, s4  }
0x9d: {  	[timem:s22], [sflag:s7] =	dma.local [hbm:s6], s5  }
0x9e: {  	_ =	swait.ge [sflag:s7], s5  }
0x9f: {  	s5 =	ssub.s32 $0x0, s5;
	[sflag:s7] =	ssyncset.done $0x0  }
0xa0: {  	[sflag:s7] =	ssyncadd.s32 s5;
	_ =	sdelay $0x1  }
0xa1: {  	s23 =	simm.s32 $0x1B8B  }
0xa2: {  	_ =	swait.ge [sflag:s23], $0x1  }
0xa3: {  	[sflag:s23] =	ssyncset.done $0x0  }
0xa4: {  	[sflag:s23] =	ssyncadd.s32 $0xFFFFFFFF  }
0xa5: {  	s5 =	sld [smem:$0x0]  }
0xa6: {  	s6 =	sand.u32 $0xFFFFFFFE, s1  }
0xa7: {  	p0 =	sne.s32 s1, s6  }
0xa8: {  	s6 =	sshll.u32 @p0 s6, $0xE  }
0xa9: {  	s6 =	sadd.s32 @p0 $0x11B8D, s6;
	s7 =	sshll.u32 @p0 s5, $0x11  }
0xaa: {  	s6 =	sor.u32 @p0 s7, s6  }
0xab: {  	[sflag:s6] =	ssyncadd.remote.s32 @p0 $0x1;
	_ =	sdelay $0x1  }
0xac: {  	s6 =	simm.s32 @p0 $0x1B8D  }
0xad: {  	_ =	swait.eq @p0 [sflag:s6], $0x1  }
0xae: {  	[sflag:s6] =	ssyncadd.s32 @p0 $0xFFFFFFFF  }
0xaf: {  	s7 =	sshll.u32 @!p0 s1, $0xE  }
0xb0: {  	s7 =	sor.u32 @!p0 $0x4000, s7;
	s6 =	simm.s32 @!p0 $0x1B8D  }
0xb1: {  	s5 =	sshll.u32 @!p0 s5, $0x11;
	s7 =	sadd.s32 @!p0 $0x11B8D, s7;
	_ =	swait.eq @!p0 [sflag:s6], $0x1  }
0xb2: {  	s5 =	sor.u32 @!p0 s5, s7;
	[sflag:s6] =	ssyncadd.s32 @!p0 $0xFFFFFFFF  }
0xb3: {  	s25 =	simm.s32 $0x1B8E;
	s24 =	sld [smem:$0x3FFE];
	[sflag:s5] =	ssyncadd.remote.s32 @!p0 $0x1  }
0xb4: {  	s26 =	simm.s32 $execute0_lowered;
	[smem:$0x3FD2] =	sst s25  }
0xb5: {  	s6 =	sshll.u32 s26, $0x1;
	_ =	strace $0x80000049;
	[dreg:$0x1] =	wrdreg $0xFFFFFFFF  }
0xb6: {  	s28 =	simm.s32 $_size_execute0_lowered;
	s4 =	sadd.s32 s4, s6;
	[dreg:$0x0] =	wrdreg $0x0  }
0xb7: {  	s6 =	sshll.u32 s28, $0x1;
	[dreg:$0x2] =	wrdreg s4  }
0xb8: {  	[dreg:$0x3] =	wrdreg s6  }
0xb9: {  	[dreg:$0x4] =	wrdreg $0xC0  }
0xba: {  	_ =	task [dreg:s22], $0x5FFFF  }
0xbb: {  	[dreg:$0x1] =	wrdreg $0xFFFFFFFF  }
0xbc: {  	[dreg:$0x0] =	wrdreg $0x60  }
0xbd: {  	[dreg:$0x2] =	wrdreg s18  }
0xbe: {  	[dreg:$0x3] =	wrdreg s24  }
0xbf: {  	[dreg:$0x4] =	wrdreg $0xA  }
0xc0: {  	_ =	task.clear_ibuf [dreg:s22], $0x5FFFF;
	_ =	strace $0x90000049  }
0xc1: {  	s29 =	simm.s32 $0xA;
	_ =	strace $0x8000004B  }
0xc2: {  	_ =	swait.ge [sflag:s29], $0x1  }
0xc3: {  	[sflag:s29] =	ssyncadd.s32 $0xFFFFFFFF  }
0xc4: {  	_ =	strace $0x9000004B  }
0xc5: {  	_ =	sfence  }
0xc6: {  	s30 =	sld [smem:$0x0];
	_ =	sdelay $0x2  }
0xc7: {  	s31 =	sshll.u32 s1, $0xD;
	s1 =	sshrl.u32 s1, $0x2  }
0xc8: {  	s4 =	sand.u32 $0x4000, s31;
	s1 =	sadd.s32 s1, s30  }
0xc9: {  	s0 =	sor.u32 s4, s0;
	s1 =	sshll.u32 s1, $0x11  }
0xca: {  	s0 =	sor.u32 s1, s0  }
0xcb: {  	s0 =	sadd.s32 $0x8F2B, s0  }
0xcc: {  	[sflag:s0] =	ssyncadd.remote.s32 $0x1  }
0xcd: {  	_ =	sfence.sel $0xFFFF  }
0xce: {  	[dreg:$0x0] =	wrdreg $0xFFFFFFFF;
	(pc) =	sbr.abs _section_cstart, $3  }
0xcf: {  	[dreg:$0x1] =	wrdreg $0xFFFFFFFF  }
0xd0: {  	_ =	task.clear_ibuf [dreg:s22], $0x2FFFF;
	_ =	strace $0x9FFFFFFF  }
0xd1: {  	(tm) =	ssettm $0x7FFFFFFF  }
tec
execute0_lowered:
.L_overlay_start_1:
0x0: {  	(tag) =	ssettag $0x1  }
0x1: {  	s1 =	rddreg [dreg:$0x0]  }
0x2: {  	s4 =	rddreg [dreg:$0x1]  }
0x3: {  	s0 =	rddreg [dreg:$0x2];
	s5 =	srdreg.scid  }
0x4: {  	s3 =	simm.s32 $0x0;
	s2 =	stileid.u32;
	s10 =	simm.s32 $0x0  }
0x5: {  	s5 =	sand.u32 $0x1, s5;
	[smem:$0x7FF] =	sst s3;
	s6 =	sshll.u32 s2, $0xE  }
0x6: {  	s8 =	sshll.u32 s2, $0x12;
	s7 =	sshll.u32 s5, $0xD;
	_ =	strace $0x8000004A  }
0x7: {  	s31 =	ssub.s32 $0x2, s5;
	s8 =	sadd.s32 s8, s4;
	s5 =	sshll.u32 s5, $0x11  }
0x8: {  	s6 =	sor.u32 s7, s6;
	s9 =	sshrl.u32 s31, $0x1;
	s5 =	sadd.s32 s5, s8  }
0x9: {  	s8 =	simm.s32 $0x100;
	s6 =	sshrl.u32 s6, $0x3;
	s7 =	ssub.s32 s31, s9  }
0xa: {  	s5 =	sadd.s32 $0x4CC400, s5;
	s9 =	simm.s32 $0x1;
	s6 =	sadd.s32 s6, s4  }
0xb: {  	s4 =	smax.u32 s7, $0x1;
	s7 =	simm.s32 $0x2;
	s6 =	sadd.s32 $0x84400, s6  }
.LBB2_1:
0xc: {  	s11 =	sadd.s32 $0x0, s6  }
0xd: {  	[tilespmem:s3], [sflag:$0x2] =	stream.linear.gather [hbm4b:s11+s3], $0x100, $0x38;
	[tilespmem:$0x8100] =	vst v63  }
0xe: {  	_ =	swait.ge [sflag:s7], $0x100  }
0xf: {  	[sflag:s7] =	ssyncset.done $0x0  }
0x10: {  	[sflag:s7] =	ssyncadd.s32 $0xFFFFFF00  }
0x11: {  	[tilespmem:s8], [sflag:$0x1] =	stream.indirect.gather [hbm4b:s1+s8], $0x80, s3, s8, $0xb8;
	[tilespmem:$0x8100] =	vst v63  }
0x12: {  	_ =	swait.ge [sflag:s9], $0x8000  }
0x13: {  	[sflag:s9] =	ssyncset.done $0x0  }
0x14: {  	[sflag:s9] =	ssyncadd.s32 $0xFFFF8000  }
0x15: {  	[hbm4b:s5+s3] =	stream.linear.scatter [tilespmem:s8], [sflag:$0x2], $0x8000, $0x38;
	[tilespmem:$0x8100] =	vst v63  }
0x16: {  	s12 =	simm.s32 $0x20;
	_ =	swait.ge [sflag:s7], $0x8000  }
0x17: {  	s13 =	simm.s32 $0x40;
	s11 =	sadd.s32 $0x1000, s5;
	[sflag:s7] =	ssyncset.done $0x0  }
.LBB2_2:
0x18: {  	s14 =	sadd.s32 s12, s6  }
0x19: {  	[sflag:s7] =	ssyncadd.s32 $0xFFFF8000;
	s12 =	smov.u32 s13;
	s15 =	sadd.s32 $0x20, s13  }
0x1a: {  	[tilespmem:s3], [sflag:$0x2] =	stream.linear.gather [hbm4b:s14+s3], $0x100, $0x38;
	[tilespmem:$0x8100] =	vst v63  }
0x1b: {  	p0 =	sne.s32 s13, $0x3E0;
	_ =	swait.ge [sflag:s7], $0x100  }
0x1c: {  	[sflag:s7] =	ssyncset.done $0x0  }
0x1d: {  	[sflag:s7] =	ssyncadd.s32 $0xFFFFFF00  }
0x1e: {  	[tilespmem:s8], [sflag:$0x1] =	stream.indirect.gather [hbm4b:s1+s8], $0x80, s3, s8, $0xb8;
	[tilespmem:$0x8100] =	vst v63  }
0x1f: {  	_ =	swait.ge [sflag:s9], $0x8000  }
.Ltmp0:
0x20: {  	[sflag:s9] =	ssyncset.done $0x0;
	(pc) =	sbr.rel @p0 .LBB2_2-.Ltmp0, $4  }
0x21: {  	[sflag:s9] =	ssyncadd.s32 $0xFFFF8000  }
0x22: {  	[hbm4b:s11+s3] =	stream.linear.scatter [tilespmem:s8], [sflag:$0x2], $0x8000, $0x38;
	[tilespmem:$0x8100] =	vst v63  }
0x23: {  	_ =	swait.ge [sflag:s7], $0x8000  }
0x24: {  	s13 =	smov.u32 s15;
	s11 =	sadd.s32 $0x1000, s11;
	[sflag:s7] =	ssyncset.done $0x0  }
0x25: {  	s12 =	sadd.s32 s12, s6;
	[sflag:s7] =	ssyncadd.s32 $0xFFFF8000  }
0x26: {  	[tilespmem:s3], [sflag:$0x2] =	stream.linear.gather [hbm4b:s12+s3], $0x100, $0x38;
	[tilespmem:$0x8100] =	vst v63  }
0x27: {  	_ =	swait.ge [sflag:s7], $0x100  }
0x28: {  	[sflag:s7] =	ssyncset.done $0x0  }
0x29: {  	[sflag:s7] =	ssyncadd.s32 $0xFFFFFF00  }
0x2a: {  	[tilespmem:s8], [sflag:$0x1] =	stream.indirect.gather [hbm4b:s1+s8], $0x80, s3, s8, $0xb8;
	[tilespmem:$0x8100] =	vst v63  }
0x2b: {  	s10 =	sadd.s32 $0x1, s10;
	_ =	swait.ge [sflag:s9], $0x8000  }
0x2c: {  	p0 =	sne.s32 s10, s4;
	[sflag:s9] =	ssyncset.done $0x0  }
.Ltmp1:
0x2d: {  	[sflag:s9] =	ssyncadd.s32 $0xFFFF8000;
	(pc) =	sbr.rel @p0 .LBB2_1-.Ltmp1, $4  }
0x2e: {  	[hbm4b:s11+s3] =	stream.linear.scatter [tilespmem:s8], [sflag:$0x2], $0x8000, $0x38;
	[tilespmem:$0x8100] =	vst v63  }
0x2f: {  	_ =	swait.ge [sflag:s7], $0x8000  }
0x30: {  	[sflag:s7] =	ssyncset.done $0x0  }
0x31: {  	[sflag:s7] =	ssyncadd.s32 $0xFFFF8000  }
0x32: {  	_ =	sfence.sel $0x180000  }
0x33: {  	[bflag:$0x0] =	sbarrier.arrive $0xFFFF  }
0x34: {  	p0 =	sne.s32 s2, $0x0;
	_ =	strace $0x9000004A  }
0x35: {  	s0 =	sadd.s32 @!p0 $0x100000, s0;
	[bflag:$0x2] =	sbarrier.arrive $0xFFFF  }
0x36: {  	[sflag:s0] =	ssyncadd.tile.s32 @!p0 $0x1;
	_ =	shalt  }
.Lfunc_end2:
_tile_overlayer_lowered:
.L_overlay_start_2:
0x37: {  	(tag) =	ssettag $0x2  }
0x38: {  	s0 =	rddreg [dreg:$0x0];
	s2 =	stileid.u32  }
0x39: {  	s1 =	rddreg [dreg:$0x1];
	p0 =	sne.s32 s2, $0x0  }
0x3a: {  	s3 =	rddreg [dreg:$0x2];
	[bflag:$0x3] =	sbarrier.arrive $0xFFFF;
	s2 =	simm.s32 @!p0 $0x1C02  }
0x3b: {  	[timem:s3], [sflag:s2] =	dma.local @!p0 [hbm:s0], s1  }
0x3c: {  	s0 =	simm.s32 @!p0 $0x2  }
0x3d: {  	_ =	swait.ge @!p0 [sflag:s0], s1  }
0x3e: {  	s1 =	ssub.s32 @!p0 $0x0, s1;
	[sflag:s0] =	ssyncset.done @!p0 $0x0  }
0x3f: {  	[sflag:s0] =	ssyncadd.s32 @!p0 s1  }
0x40: {  	[bflag:$0x3] =	sbarrier.arrive $0xFFFF  }
0x41: {  	_ =	shalt  }

</sc_bundles>
